<compile_context>
chip_gen: v7x
topology: tpu7x:2x2x1
jax: 0.10.2.dev20260603
libtpu: 0.0.44.dev20260713+nightly
codegen_flags: <defaults>
</compile_context>

<pallas_src>
import jax
import jax.numpy as jnp
from jax import lax
from jax.experimental import pallas as pl
from jax.experimental.pallas import tpu as pltpu
from jax.experimental.pallas import tpu_sc as plsc

NC = 2
NS = 16
NW = NC * NS
CH = 8192
UNROLL = 8


def _mm_body(w_ref, x_ref, o_ref):
    o_ref[...] = lax.dot_general(
        w_ref[...], x_ref[...], (((0,), (1,)), ((), ())),
        preferred_element_type=jnp.float32)


def _matmul_t(x, W):
    n, d = x.shape
    c = W.shape[1]
    return pl.pallas_call(
        _mm_body,
        out_shape=jax.ShapeDtypeStruct((c, n), jnp.float32),
    )(W, x)


def _tr_body(i_ref, o_ref):
    o_ref[...] = i_ref[...].T


def _transpose(outT):
    c, n = outT.shape
    return pl.pallas_call(
        _tr_body,
        out_shape=jax.ShapeDtypeStruct((n, c), jnp.float32),
    )(outT)


def _make_sc_agg(n, c, nch, shift):
    groups = CH // 16
    lowmask = (1 << shift) - 1

    def body(pk_hbm, ypk_hbm, b_hbm, out_hbm,
             ysp, acc0, acc1, pb0, pb1, bv, semA, semB):
        cid = lax.axis_index("c")
        sid = lax.axis_index("s")
        wid = sid * NC + cid
        col0 = wid * 2

        def choff(q):
            return lax.rem(q + wid, nch) * CH

        pltpu.async_copy(pk_hbm.at[pl.ds(choff(0), CH)], pb0, semA)
        pltpu.sync_copy(ypk_hbm.at[wid], ysp)
        pltpu.sync_copy(b_hbm, bv)

        def zstep(i, _):
            acc0[pl.ds(i * 16, 16)] = jnp.zeros((16,), jnp.float32)
            acc1[pl.ds(i * 16, 16)] = jnp.zeros((16,), jnp.float32)
            return 0
        lax.fori_loop(0, (n + 16) // 16, zstep, 0)

        def process(pb):
            def gstep(k, _):
                offs = [(k * UNROLL + u) * 16 for u in range(UNROLL)]
                pk = [pb[pl.ds(o, 16)] for o in offs]
                ss = [jnp.right_shift(p, shift) for p in pk]
                dd = [jnp.bitwise_and(p, lowmask) for p in pk]
                gs = [plsc.load_gather(ysp, [s]) for s in ss]
                f0 = [plsc.bitcast(jnp.left_shift(g, 16), jnp.float32)
                      for g in gs]
                f1 = [plsc.bitcast(jnp.bitwise_and(g, -65536), jnp.float32)
                      for g in gs]
                for u in range(UNROLL):
                    plsc.addupdate_scatter(acc0, [dd[u]], f0[u])
                for u in range(UNROLL):
                    plsc.addupdate_scatter(acc1, [dd[u]], f1[u])
                return 0
            lax.fori_loop(0, groups // UNROLL, gstep, 0)

        def pair_step(p, _):
            ch0 = p * 2
            pltpu.async_copy(pk_hbm.at[pl.ds(choff(ch0 + 1), CH)], pb1, semB)
            pltpu.make_async_copy(pk_hbm.at[pl.ds(choff(ch0), CH)], pb0,
                                  semA).wait()
            process(pb0)
            pltpu.async_copy(pk_hbm.at[pl.ds(choff(ch0 + 2), CH)], pb0, semA)
            pltpu.make_async_copy(pk_hbm.at[pl.ds(choff(ch0 + 1), CH)], pb1,
                                  semB).wait()
            process(pb1)
            return 0
        lax.fori_loop(0, nch // 2, pair_step, 0)
        pltpu.make_async_copy(pk_hbm.at[pl.ds(choff(nch), CH)], pb0,
                              semA).wait()

        i16 = lax.iota(jnp.int32, 16)
        b0 = plsc.load_gather(bv, [i16 * 0 + col0])
        b1 = plsc.load_gather(bv, [i16 * 0 + col0 + 1])

        def fstep(i, _):
            sl = pl.ds(i * 16, 16)
            v = ysp[sl]
            y0 = plsc.bitcast(jnp.left_shift(v, 16), jnp.float32)
            y1 = plsc.bitcast(jnp.bitwise_and(v, -65536), jnp.float32)
            acc0[sl] = acc0[sl] + y0 + b0
            acc1[sl] = acc1[sl] + y1 + b1
            return 0
        lax.fori_loop(0, n // 16, fstep, 0)
        pltpu.sync_copy(acc0.at[pl.ds(0, n)], out_hbm.at[col0])
        pltpu.sync_copy(acc1.at[pl.ds(0, n)], out_hbm.at[col0 + 1])

    mesh = plsc.VectorSubcoreMesh(core_axis_name="c", subcore_axis_name="s")
    return pl.kernel(
        body,
        out_type=jax.ShapeDtypeStruct((c, n), jnp.float32),
        mesh=mesh,
        compiler_params=pltpu.CompilerParams(use_tc_tiling_on_sc=False,
                                             needs_layout_passes=False),
        scratch_types=[
            pltpu.VMEM((n,), jnp.int32),
            pltpu.VMEM((n + 16,), jnp.float32),
            pltpu.VMEM((n + 16,), jnp.float32),
            pltpu.VMEM((CH,), jnp.int32),
            pltpu.VMEM((CH,), jnp.int32),
            pltpu.VMEM((c,), jnp.float32),
            pltpu.SemaphoreType.DMA,
            pltpu.SemaphoreType.DMA,
        ],
    )


@jax.jit
def kernel(x, edge_index, W, b):
    n, d = x.shape
    c = W.shape[1]
    e = edge_index.shape[1]
    assert c == 2 * NW and n % 16 == 0

    shift = int(n).bit_length()
    assert 2 * shift <= 31

    nch = -(-e // CH)
    nch += nch % 2
    ep = nch * CH
    pad = ep - e
    src = jnp.concatenate([edge_index[0], jnp.zeros((pad,), jnp.int32)])
    dst = jnp.concatenate([edge_index[1], jnp.full((pad,), n, jnp.int32)])
    pk = jnp.left_shift(src, shift) | dst

    yT = _matmul_t(x, W)
    ybits = lax.bitcast_convert_type(
        yT.astype(jnp.bfloat16), jnp.uint16).astype(jnp.uint32)
    ypk = lax.bitcast_convert_type(
        ybits[0::2] | (ybits[1::2] << 16), jnp.int32)

    outT = _make_sc_agg(n, c, nch, shift)(pk, ypk, b)
    return _transpose(outT)

# --- scband reference (transcript-rebuilt; emitter-appended) ---
"""Pipeline reference for scband-gin-1layer-71949292143001 (READ-ONLY COPY).

The authoritative reference and input builder live on the scoring server;
editing this copy changes nothing except your own understanding.
"""

import jax, jax.numpy as jnp
import numpy as np

N = 10000
E = 320000
D = 128
C = 64

def setup_inputs(seed: int = 0) -> dict:
    key = jax.random.key(seed)
    k1, k2, k3 = jax.random.split(key, 3)
    x = jax.random.normal(k1, (N, D), dtype=jnp.float32)
    edge_index = jax.random.randint(k2, (2, E), 0, N, dtype=jnp.int32)
    # Linear layer params (torch.nn.Linear(input_feat, classes)): W is [D, C] (transposed torch layout), b is [C]
    bound = 1.0 / np.sqrt(D)
    kw, kb = jax.random.split(k3)
    W = jax.random.uniform(kw, (D, C), dtype=jnp.float32, minval=-bound, maxval=bound)
    b = jax.random.uniform(kb, (C,), dtype=jnp.float32, minval=-bound, maxval=bound)
    return {"x": x, "edge_index": edge_index, "W": W, "b": b}

def reference(x, edge_index, W, b):
    # GINConv (default eps=0.0, train_eps=False, sum aggregation):
    #   out = mlp((1 + eps) * x + sum_{j in N(i)} x_j)
    src = edge_index[0]
    dst = edge_index[1]
    msgs = jnp.take(x, src, axis=0)               # gather source node features per edge
    agg = jnp.zeros_like(x).at[dst].add(msgs)     # scatter-add to destination nodes
    eps = 0.0
    h = (1.0 + eps) * x + agg
    out = h @ W + b                               # mlp_gin1 = Linear(input_feat, classes)
    return out

if __name__ == "__main__":
    import jax
    _d = setup_inputs()
    print(jax.jit(kernel)(*tuple(_d.values())))

</pallas_src>

<mosaic_0001>
#map = affine_map<(d0, d1) -> (0)>
#map1 = affine_map<(d0, d1) -> (0, 0)>
module attributes {stable_mosaic.version = 14 : i64} {
  func.func @body(%arg0: i32, %arg1: i32, %arg2: memref<327680xi32, #tpu.memory_space<hbm>>, %arg3: memref<32x10000xi32, #tpu.memory_space<hbm>>, %arg4: memref<64xf32, #tpu.memory_space<hbm>>, %arg5: memref<64x10000xf32, #tpu.memory_space<hbm>>, %arg6: memref<10000xi32, #tpu.memory_space<vmem>>, %arg7: memref<10016xf32, #tpu.memory_space<vmem>>, %arg8: memref<10016xf32, #tpu.memory_space<vmem>>, %arg9: memref<8192xi32, #tpu.memory_space<vmem>>, %arg10: memref<8192xi32, #tpu.memory_space<vmem>>, %arg11: memref<64xf32, #tpu.memory_space<vmem>>, %arg12: memref<!tpu.dma_semaphore, #tpu.memory_space<semaphore_mem>>, %arg13: memref<!tpu.dma_semaphore, #tpu.memory_space<semaphore_mem>>) attributes {dimension_semantics = [#tpu.dimension_semantics<core_parallel>, #tpu.dimension_semantics<subcore_parallel>], iteration_bounds = array<i64: 2, 16>, scalar_prefetch = 0 : i64, scratch_operands = 8 : i64, tpu.core_type = #tpu.core_type<sc_vector_subcore>, window_params = [{transform_indices = #map}, {transform_indices = #map1}, {transform_indices = #map}, {transform_indices = #map1}]} {
    %mul3A = arith.constant 2 : i32
    %mul3A_0 = arith.muli %arg1, %mul3A : i32
    %add3A = arith.addi %mul3A_0, %arg0 : i32
    %mul3A_1 = arith.constant 2 : i32
    %mul3A_2 = arith.muli %add3A, %mul3A_1 : i32
    %add3A_3 = arith.constant 0 : i32
    %add3A_4 = arith.addi %add3A_3, %add3A : i32
    %rem3A = arith.constant 40 : i32
    %rem3A_5 = arith.remsi %add3A_4, %rem3A : i32
    %mul3A_6 = arith.constant 8192 : i32
    %mul3A_7 = arith.muli %rem3A_5, %mul3A_6 : i32
    %dma_start3A = tpu.memref_slice %arg2[%mul3A_7] : memref<327680xi32, #tpu.memory_space<hbm>> -> memref<8192xi32, #tpu.memory_space<hbm>>
    %dma_start3A_8 = tpu.memref_slice %arg2[%mul3A_7] : memref<327680xi32, #tpu.memory_space<hbm>> -> memref<8192xi32, #tpu.memory_space<hbm>>
    tpu.enqueue_dma source(%dma_start3A_8 : memref<8192xi32, #tpu.memory_space<hbm>>) target(%arg9 : memref<8192xi32, #tpu.memory_space<vmem>>) target_semaphore(%arg12 : memref<!tpu.dma_semaphore, #tpu.memory_space<semaphore_mem>>)
    "tpu.region"() ({
      %run_scoped3A = tpu.sem_alloc : memref<!tpu.dma_semaphore, #tpu.memory_space<semaphore_mem>>
      %dma_start3A_52 = arith.constant 0 : i32
      %dma_start3A_53 = tpu.memref_slice %arg3[%add3A, %dma_start3A_52] : memref<32x10000xi32, #tpu.memory_space<hbm>> -> memref<1x10000xi32, #tpu.memory_space<hbm>>
      %dma_start3A_54 = tpu.memref_squeeze %dma_start3A_53 : memref<1x10000xi32, #tpu.memory_space<hbm>> -> memref<10000xi32, #tpu.memory_space<hbm>>
      %dma_start3A_55 = arith.constant 0 : i32
      %dma_start3A_56 = tpu.memref_slice %arg3[%add3A, %dma_start3A_55] : memref<32x10000xi32, #tpu.memory_space<hbm>> -> memref<1x10000xi32, #tpu.memory_space<hbm>>
      %dma_start3A_57 = tpu.memref_squeeze %dma_start3A_56 : memref<1x10000xi32, #tpu.memory_space<hbm>> -> memref<10000xi32, #tpu.memory_space<hbm>>
      tpu.enqueue_dma source(%dma_start3A_57 : memref<10000xi32, #tpu.memory_space<hbm>>) target(%arg6 : memref<10000xi32, #tpu.memory_space<vmem>>) target_semaphore(%run_scoped3A : memref<!tpu.dma_semaphore, #tpu.memory_space<semaphore_mem>>)
      %dma_wait3A_58 = arith.constant 0 : i32
      %dma_wait3A_59 = tpu.memref_slice %arg3[%add3A, %dma_wait3A_58] : memref<32x10000xi32, #tpu.memory_space<hbm>> -> memref<1x10000xi32, #tpu.memory_space<hbm>>
      %dma_wait3A_60 = tpu.memref_squeeze %dma_wait3A_59 : memref<1x10000xi32, #tpu.memory_space<hbm>> -> memref<10000xi32, #tpu.memory_space<hbm>>
      %dma_wait3A_61 = arith.constant 0 : i32
      %dma_wait3A_62 = tpu.memref_slice %arg3[%add3A, %dma_wait3A_61] : memref<32x10000xi32, #tpu.memory_space<hbm>> -> memref<1x10000xi32, #tpu.memory_space<hbm>>
      %dma_wait3A_63 = tpu.memref_squeeze %dma_wait3A_62 : memref<1x10000xi32, #tpu.memory_space<hbm>> -> memref<10000xi32, #tpu.memory_space<hbm>>
      tpu.wait_dma2 semaphore(%run_scoped3A : memref<!tpu.dma_semaphore, #tpu.memory_space<semaphore_mem>>) src(%dma_wait3A_63 : memref<10000xi32, #tpu.memory_space<hbm>>) dst(%arg6 : memref<10000xi32, #tpu.memory_space<vmem>>)
      tpu.yield
    }) : () -> ()
    "tpu.region"() ({
      %run_scoped3A = tpu.sem_alloc : memref<!tpu.dma_semaphore, #tpu.memory_space<semaphore_mem>>
      tpu.enqueue_dma source(%arg4 : memref<64xf32, #tpu.memory_space<hbm>>) target(%arg11 : memref<64xf32, #tpu.memory_space<vmem>>) target_semaphore(%run_scoped3A : memref<!tpu.dma_semaphore, #tpu.memory_space<semaphore_mem>>)
      tpu.wait_dma2 semaphore(%run_scoped3A : memref<!tpu.dma_semaphore, #tpu.memory_space<semaphore_mem>>) src(%arg4 : memref<64xf32, #tpu.memory_space<hbm>>) dst(%arg11 : memref<64xf32, #tpu.memory_space<vmem>>)
      tpu.yield
    }) : () -> ()
    %scan3A = arith.constant 0 : i32
    %scan3A_9 = arith.constant 0 : i32
    %scan3A_10 = arith.constant 626 : i32
    %scan3A_11 = arith.addi %scan3A_9, %scan3A_10 : i32
    %scan3A_12 = arith.constant 1 : i32
    %scan3A_13 = scf.for %scan3A_52 = %scan3A_9 to %scan3A_11 step %scan3A_12 iter_args(%scan3A_53 = %scan3A) -> (i32)  : i32 {
      %broadcast_in_dim3A = arith.constant 0.000000e+00 : f32
      %broadcast_in_dim3A_54 = vector.broadcast %broadcast_in_dim3A : f32 to vector<16xf32>
      %mul3A_55 = arith.constant 16 : i32
      %mul3A_56 = arith.muli %scan3A_52, %mul3A_55 : i32
      %swap3A = arith.index_cast %mul3A_56 : i32 to index
      %swap3A_57 = tpu.vector_load %arg7[%swap3A] {strides = array<i32>} : memref<10016xf32, #tpu.memory_space<vmem>>, vector<16xf32>,
      tpu.vector_store %arg7[%swap3A], %broadcast_in_dim3A_54 {strides = array<i32>} : memref<10016xf32, #tpu.memory_space<vmem>>, vector<16xf32>,
      %broadcast_in_dim3A_58 = arith.constant 0.000000e+00 : f32
      %broadcast_in_dim3A_59 = vector.broadcast %broadcast_in_dim3A_58 : f32 to vector<16xf32>
      %mul3A_60 = arith.constant 16 : i32
      %mul3A_61 = arith.muli %scan3A_52, %mul3A_60 : i32
      %swap3A_62 = arith.index_cast %mul3A_61 : i32 to index
      %swap3A_63 = tpu.vector_load %arg8[%swap3A_62] {strides = array<i32>} : memref<10016xf32, #tpu.memory_space<vmem>>, vector<16xf32>,
      tpu.vector_store %arg8[%swap3A_62], %broadcast_in_dim3A_59 {strides = array<i32>} : memref<10016xf32, #tpu.memory_space<vmem>>, vector<16xf32>,
      %scan3A_64 = arith.constant 0 : i32
      scf.yield %scan3A_64 : i32
    }
    %scan3A_14 = arith.constant 626 : i32
    %scan3A_15 = arith.constant 0 : i32
    %scan3A_16 = arith.constant 0 : i32
    %scan3A_17 = arith.constant 20 : i32
    %scan3A_18 = arith.addi %scan3A_16, %scan3A_17 : i32
    %scan3A_19 = arith.constant 1 : i32
    %scan3A_20 = scf.for %scan3A_52 = %scan3A_16 to %scan3A_18 step %scan3A_19 iter_args(%scan3A_53 = %scan3A_15) -> (i32)  : i32 {
      %mul3A_54 = arith.constant 2 : i32
      %mul3A_55 = arith.muli %scan3A_52, %mul3A_54 : i32
      %add3A_56 = arith.constant 1 : i32
      %add3A_57 = arith.addi %mul3A_55, %add3A_56 : i32
      %add3A_58 = arith.addi %add3A_57, %add3A : i32
      %rem3A_59 = arith.constant 40 : i32
      %rem3A_60 = arith.remsi %add3A_58, %rem3A_59 : i32
      %mul3A_61 = arith.constant 8192 : i32
      %mul3A_62 = arith.muli %rem3A_60, %mul3A_61 : i32
      %dma_start3A_63 = tpu.memref_slice %arg2[%mul3A_62] : memref<327680xi32, #tpu.memory_space<hbm>> -> memref<8192xi32, #tpu.memory_space<hbm>>
      %dma_start3A_64 = tpu.memref_slice %arg2[%mul3A_62] : memref<327680xi32, #tpu.memory_space<hbm>> -> memref<8192xi32, #tpu.memory_space<hbm>>
      tpu.enqueue_dma source(%dma_start3A_64 : memref<8192xi32, #tpu.memory_space<hbm>>) target(%arg10 : memref<8192xi32, #tpu.memory_space<vmem>>) target_semaphore(%arg13 : memref<!tpu.dma_semaphore, #tpu.memory_space<semaphore_mem>>)
      %add3A_65 = arith.addi %mul3A_55, %add3A : i32
      %rem3A_66 = arith.constant 40 : i32
      %rem3A_67 = arith.remsi %add3A_65, %rem3A_66 : i32
      %mul3A_68 = arith.constant 8192 : i32
      %mul3A_69 = arith.muli %rem3A_67, %mul3A_68 : i32
      %dma_wait3A_70 = tpu.memref_slice %arg2[%mul3A_69] : memref<327680xi32, #tpu.memory_space<hbm>> -> memref<8192xi32, #tpu.memory_space<hbm>>
      %dma_wait3A_71 = tpu.memref_slice %arg2[%mul3A_69] : memref<327680xi32, #tpu.memory_space<hbm>> -> memref<8192xi32, #tpu.memory_space<hbm>>
      tpu.wait_dma2 semaphore(%arg12 : memref<!tpu.dma_semaphore, #tpu.memory_space<semaphore_mem>>) src(%dma_wait3A_71 : memref<8192xi32, #tpu.memory_space<hbm>>) dst(%arg9 : memref<8192xi32, #tpu.memory_space<vmem>>)
      %scan3A_72 = arith.constant 0 : i32
      %scan3A_73 = arith.constant 0 : i32
      %scan3A_74 = arith.constant 64 : i32
      %scan3A_75 = arith.addi %scan3A_73, %scan3A_74 : i32
      %scan3A_76 = arith.constant 1 : i32
      %scan3A_77 = scf.for %scan3A_105 = %scan3A_73 to %scan3A_75 step %scan3A_76 iter_args(%scan3A_106 = %scan3A_72) -> (i32)  : i32 {
        %mul3A_107 = arith.constant 8 : i32
        %mul3A_108 = arith.muli %scan3A_105, %mul3A_107 : i32
        %add3A_109 = arith.constant 0 : i32
        %add3A_110 = arith.addi %mul3A_108, %add3A_109 : i32
        %mul3A_111 = arith.constant 16 : i32
        %mul3A_112 = arith.muli %add3A_110, %mul3A_111 : i32
        %mul3A_113 = arith.constant 8 : i32
        %mul3A_114 = arith.muli %scan3A_105, %mul3A_113 : i32
        %add3A_115 = arith.constant 1 : i32
        %add3A_116 = arith.addi %mul3A_114, %add3A_115 : i32
        %mul3A_117 = arith.constant 16 : i32
        %mul3A_118 = arith.muli %add3A_116, %mul3A_117 : i32
        %mul3A_119 = arith.constant 8 : i32
        %mul3A_120 = arith.muli %scan3A_105, %mul3A_119 : i32
        %add3A_121 = arith.constant 2 : i32
        %add3A_122 = arith.addi %mul3A_120, %add3A_121 : i32
        %mul3A_123 = arith.constant 16 : i32
        %mul3A_124 = arith.muli %add3A_122, %mul3A_123 : i32
        %mul3A_125 = arith.constant 8 : i32
        %mul3A_126 = arith.muli %scan3A_105, %mul3A_125 : i32
        %add3A_127 = arith.constant 3 : i32
        %add3A_128 = arith.addi %mul3A_126, %add3A_127 : i32
        %mul3A_129 = arith.constant 16 : i32
        %mul3A_130 = arith.muli %add3A_128, %mul3A_129 : i32
        %mul3A_131 = arith.constant 8 : i32
        %mul3A_132 = arith.muli %scan3A_105, %mul3A_131 : i32
        %add3A_133 = arith.constant 4 : i32
        %add3A_134 = arith.addi %mul3A_132, %add3A_133 : i32
        %mul3A_135 = arith.constant 16 : i32
        %mul3A_136 = arith.muli %add3A_134, %mul3A_135 : i32
        %mul3A_137 = arith.constant 8 : i32
        %mul3A_138 = arith.muli %scan3A_105, %mul3A_137 : i32
        %add3A_139 = arith.constant 5 : i32
        %add3A_140 = arith.addi %mul3A_138, %add3A_139 : i32
        %mul3A_141 = arith.constant 16 : i32
        %mul3A_142 = arith.muli %add3A_140, %mul3A_141 : i32
        %mul3A_143 = arith.constant 8 : i32
        %mul3A_144 = arith.muli %scan3A_105, %mul3A_143 : i32
        %add3A_145 = arith.constant 6 : i32
        %add3A_146 = arith.addi %mul3A_144, %add3A_145 : i32
        %mul3A_147 = arith.constant 16 : i32
        %mul3A_148 = arith.muli %add3A_146, %mul3A_147 : i32
        %mul3A_149 = arith.constant 8 : i32
        %mul3A_150 = arith.muli %scan3A_105, %mul3A_149 : i32
        %add3A_151 = arith.constant 7 : i32
        %add3A_152 = arith.addi %mul3A_150, %add3A_151 : i32
        %mul3A_153 = arith.constant 16 : i32
        %mul3A_154 = arith.muli %add3A_152, %mul3A_153 : i32
        %get3A = arith.index_cast %mul3A_112 : i32 to index
        %get3A_155 = tpu.vector_load %arg9[%get3A] {strides = array<i32>} : memref<8192xi32, #tpu.memory_space<vmem>>, vector<16xi32>,
        %get3A_156 = arith.index_cast %mul3A_118 : i32 to index
        %get3A_157 = tpu.vector_load %arg9[%get3A_156] {strides = array<i32>} : memref<8192xi32, #tpu.memory_space<vmem>>, vector<16xi32>,
        %get3A_158 = arith.index_cast %mul3A_124 : i32 to index
        %get3A_159 = tpu.vector_load %arg9[%get3A_158] {strides = array<i32>} : memref<8192xi32, #tpu.memory_space<vmem>>, vector<16xi32>,
        %get3A_160 = arith.index_cast %mul3A_130 : i32 to index
        %get3A_161 = tpu.vector_load %arg9[%get3A_160] {strides = array<i32>} : memref<8192xi32, #tpu.memory_space<vmem>>, vector<16xi32>,
        %get3A_162 = arith.index_cast %mul3A_136 : i32 to index
        %get3A_163 = tpu.vector_load %arg9[%get3A_162] {strides = array<i32>} : memref<8192xi32, #tpu.memory_space<vmem>>, vector<16xi32>,
        %get3A_164 = arith.index_cast %mul3A_142 : i32 to index
        %get3A_165 = tpu.vector_load %arg9[%get3A_164] {strides = array<i32>} : memref<8192xi32, #tpu.memory_space<vmem>>, vector<16xi32>,
        %get3A_166 = arith.index_cast %mul3A_148 : i32 to index
        %get3A_167 = tpu.vector_load %arg9[%get3A_166] {strides = array<i32>} : memref<8192xi32, #tpu.memory_space<vmem>>, vector<16xi32>,
        %get3A_168 = arith.index_cast %mul3A_154 : i32 to index
        %get3A_169 = tpu.vector_load %arg9[%get3A_168] {strides = array<i32>} : memref<8192xi32, #tpu.memory_space<vmem>>, vector<16xi32>,
        %shift_right_arithmetic3A = arith.constant 14 : i32
        %shift_right_arithmetic3A_170 = vector.broadcast %shift_right_arithmetic3A : i32 to vector<16xi32>
        %shift_right_arithmetic3A_171 = arith.shrsi %get3A_155, %shift_right_arithmetic3A_170 : vector<16xi32>
        %shift_right_arithmetic3A_172 = arith.constant 14 : i32
        %shift_right_arithmetic3A_173 = vector.broadcast %shift_right_arithmetic3A_172 : i32 to vector<16xi32>
        %shift_right_arithmetic3A_174 = arith.shrsi %get3A_157, %shift_right_arithmetic3A_173 : vector<16xi32>
        %shift_right_arithmetic3A_175 = arith.constant 14 : i32
        %shift_right_arithmetic3A_176 = vector.broadcast %shift_right_arithmetic3A_175 : i32 to vector<16xi32>
        %shift_right_arithmetic3A_177 = arith.shrsi %get3A_159, %shift_right_arithmetic3A_176 : vector<16xi32>
        %shift_right_arithmetic3A_178 = arith.constant 14 : i32
        %shift_right_arithmetic3A_179 = vector.broadcast %shift_right_arithmetic3A_178 : i32 to vector<16xi32>
        %shift_right_arithmetic3A_180 = arith.shrsi %get3A_161, %shift_right_arithmetic3A_179 : vector<16xi32>
        %shift_right_arithmetic3A_181 = arith.constant 14 : i32
        %shift_right_arithmetic3A_182 = vector.broadcast %shift_right_arithmetic3A_181 : i32 to vector<16xi32>
        %shift_right_arithmetic3A_183 = arith.shrsi %get3A_163, %shift_right_arithmetic3A_182 : vector<16xi32>
        %shift_right_arithmetic3A_184 = arith.constant 14 : i32
        %shift_right_arithmetic3A_185 = vector.broadcast %shift_right_arithmetic3A_184 : i32 to vector<16xi32>
        %shift_right_arithmetic3A_186 = arith.shrsi %get3A_165, %shift_right_arithmetic3A_185 : vector<16xi32>
        %shift_right_arithmetic3A_187 = arith.constant 14 : i32
        %shift_right_arithmetic3A_188 = vector.broadcast %shift_right_arithmetic3A_187 : i32 to vector<16xi32>
        %shift_right_arithmetic3A_189 = arith.shrsi %get3A_167, %shift_right_arithmetic3A_188 : vector<16xi32>
        %shift_right_arithmetic3A_190 = arith.constant 14 : i32
        %shift_right_arithmetic3A_191 = vector.broadcast %shift_right_arithmetic3A_190 : i32 to vector<16xi32>
        %shift_right_arithmetic3A_192 = arith.shrsi %get3A_169, %shift_right_arithmetic3A_191 : vector<16xi32>
        %and3A = arith.constant 16383 : i32
        %and3A_193 = vector.broadcast %and3A : i32 to vector<16xi32>
        %and3A_194 = arith.andi %get3A_155, %and3A_193 : vector<16xi32>
        %and3A_195 = arith.constant 16383 : i32
        %and3A_196 = vector.broadcast %and3A_195 : i32 to vector<16xi32>
        %and3A_197 = arith.andi %get3A_157, %and3A_196 : vector<16xi32>
        %and3A_198 = arith.constant 16383 : i32
        %and3A_199 = vector.broadcast %and3A_198 : i32 to vector<16xi32>
        %and3A_200 = arith.andi %get3A_159, %and3A_199 : vector<16xi32>
        %and3A_201 = arith.constant 16383 : i32
        %and3A_202 = vector.broadcast %and3A_201 : i32 to vector<16xi32>
        %and3A_203 = arith.andi %get3A_161, %and3A_202 : vector<16xi32>
        %and3A_204 = arith.constant 16383 : i32
        %and3A_205 = vector.broadcast %and3A_204 : i32 to vector<16xi32>
        %and3A_206 = arith.andi %get3A_163, %and3A_205 : vector<16xi32>
        %and3A_207 = arith.constant 16383 : i32
        %and3A_208 = vector.broadcast %and3A_207 : i32 to vector<16xi32>
        %and3A_209 = arith.andi %get3A_165, %and3A_208 : vector<16xi32>
        %and3A_210 = arith.constant 16383 : i32
        %and3A_211 = vector.broadcast %and3A_210 : i32 to vector<16xi32>
        %and3A_212 = arith.andi %get3A_167, %and3A_211 : vector<16xi32>
        %and3A_213 = arith.constant 16383 : i32
        %and3A_214 = vector.broadcast %and3A_213 : i32 to vector<16xi32>
        %and3A_215 = arith.andi %get3A_169, %and3A_214 : vector<16xi32>
        %gather3A_216 = tpu.vector_load_idx %arg6[%shift_right_arithmetic3A_171] : memref<10000xi32, #tpu.memory_space<vmem>>[vector<16xi32>], vector<16xi32>,
        %gather3A_217 = tpu.vector_load_idx %arg6[%shift_right_arithmetic3A_174] : memref<10000xi32, #tpu.memory_space<vmem>>[vector<16xi32>], vector<16xi32>,
        %gather3A_218 = tpu.vector_load_idx %arg6[%shift_right_arithmetic3A_177] : memref<10000xi32, #tpu.memory_space<vmem>>[vector<16xi32>], vector<16xi32>,
        %gather3A_219 = tpu.vector_load_idx %arg6[%shift_right_arithmetic3A_180] : memref<10000xi32, #tpu.memory_space<vmem>>[vector<16xi32>], vector<16xi32>,
        %gather3A_220 = tpu.vector_load_idx %arg6[%shift_right_arithmetic3A_183] : memref<10000xi32, #tpu.memory_space<vmem>>[vector<16xi32>], vector<16xi32>,
        %gather3A_221 = tpu.vector_load_idx %arg6[%shift_right_arithmetic3A_186] : memref<10000xi32, #tpu.memory_space<vmem>>[vector<16xi32>], vector<16xi32>,
        %gather3A_222 = tpu.vector_load_idx %arg6[%shift_right_arithmetic3A_189] : memref<10000xi32, #tpu.memory_space<vmem>>[vector<16xi32>], vector<16xi32>,
        %gather3A_223 = tpu.vector_load_idx %arg6[%shift_right_arithmetic3A_192] : memref<10000xi32, #tpu.memory_space<vmem>>[vector<16xi32>], vector<16xi32>,
        %shift_left3A = arith.constant 16 : i32
        %shift_left3A_224 = vector.broadcast %shift_left3A : i32 to vector<16xi32>
        %shift_left3A_225 = arith.shli %gather3A_216, %shift_left3A_224 : vector<16xi32>
        %bitcast3A = vector.bitcast %shift_left3A_225 : vector<16xi32> to vector<16xf32>
        %shift_left3A_226 = arith.constant 16 : i32
        %shift_left3A_227 = vector.broadcast %shift_left3A_226 : i32 to vector<16xi32>
        %shift_left3A_228 = arith.shli %gather3A_217, %shift_left3A_227 : vector<16xi32>
        %bitcast3A_229 = vector.bitcast %shift_left3A_228 : vector<16xi32> to vector<16xf32>
        %shift_left3A_230 = arith.constant 16 : i32
        %shift_left3A_231 = vector.broadcast %shift_left3A_230 : i32 to vector<16xi32>
        %shift_left3A_232 = arith.shli %gather3A_218, %shift_left3A_231 : vector<16xi32>
        %bitcast3A_233 = vector.bitcast %shift_left3A_232 : vector<16xi32> to vector<16xf32>
        %shift_left3A_234 = arith.constant 16 : i32
        %shift_left3A_235 = vector.broadcast %shift_left3A_234 : i32 to vector<16xi32>
        %shift_left3A_236 = arith.shli %gather3A_219, %shift_left3A_235 : vector<16xi32>
        %bitcast3A_237 = vector.bitcast %shift_left3A_236 : vector<16xi32> to vector<16xf32>
        %shift_left3A_238 = arith.constant 16 : i32
        %shift_left3A_239 = vector.broadcast %shift_left3A_238 : i32 to vector<16xi32>
        %shift_left3A_240 = arith.shli %gather3A_220, %shift_left3A_239 : vector<16xi32>
        %bitcast3A_241 = vector.bitcast %shift_left3A_240 : vector<16xi32> to vector<16xf32>
        %shift_left3A_242 = arith.constant 16 : i32
        %shift_left3A_243 = vector.broadcast %shift_left3A_242 : i32 to vector<16xi32>
        %shift_left3A_244 = arith.shli %gather3A_221, %shift_left3A_243 : vector<16xi32>
        %bitcast3A_245 = vector.bitcast %shift_left3A_244 : vector<16xi32> to vector<16xf32>
        %shift_left3A_246 = arith.constant 16 : i32
        %shift_left3A_247 = vector.broadcast %shift_left3A_246 : i32 to vector<16xi32>
        %shift_left3A_248 = arith.shli %gather3A_222, %shift_left3A_247 : vector<16xi32>
        %bitcast3A_249 = vector.bitcast %shift_left3A_248 : vector<16xi32> to vector<16xf32>
        %shift_left3A_250 = arith.constant 16 : i32
        %shift_left3A_251 = vector.broadcast %shift_left3A_250 : i32 to vector<16xi32>
        %shift_left3A_252 = arith.shli %gather3A_223, %shift_left3A_251 : vector<16xi32>
        %bitcast3A_253 = vector.bitcast %shift_left3A_252 : vector<16xi32> to vector<16xf32>
        %and3A_254 = arith.constant -65536 : i32
        %and3A_255 = vector.broadcast %and3A_254 : i32 to vector<16xi32>
        %and3A_256 = arith.andi %gather3A_216, %and3A_255 : vector<16xi32>
        %bitcast3A_257 = vector.bitcast %and3A_256 : vector<16xi32> to vector<16xf32>
        %and3A_258 = arith.constant -65536 : i32
        %and3A_259 = vector.broadcast %and3A_258 : i32 to vector<16xi32>
        %and3A_260 = arith.andi %gather3A_217, %and3A_259 : vector<16xi32>
        %bitcast3A_261 = vector.bitcast %and3A_260 : vector<16xi32> to vector<16xf32>
        %and3A_262 = arith.constant -65536 : i32
        %and3A_263 = vector.broadcast %and3A_262 : i32 to vector<16xi32>
        %and3A_264 = arith.andi %gather3A_218, %and3A_263 : vector<16xi32>
        %bitcast3A_265 = vector.bitcast %and3A_264 : vector<16xi32> to vector<16xf32>
        %and3A_266 = arith.constant -65536 : i32
        %and3A_267 = vector.broadcast %and3A_266 : i32 to vector<16xi32>
        %and3A_268 = arith.andi %gather3A_219, %and3A_267 : vector<16xi32>
        %bitcast3A_269 = vector.bitcast %and3A_268 : vector<16xi32> to vector<16xf32>
        %and3A_270 = arith.constant -65536 : i32
        %and3A_271 = vector.broadcast %and3A_270 : i32 to vector<16xi32>
        %and3A_272 = arith.andi %gather3A_220, %and3A_271 : vector<16xi32>
        %bitcast3A_273 = vector.bitcast %and3A_272 : vector<16xi32> to vector<16xf32>
        %and3A_274 = arith.constant -65536 : i32
        %and3A_275 = vector.broadcast %and3A_274 : i32 to vector<16xi32>
        %and3A_276 = arith.andi %gather3A_221, %and3A_275 : vector<16xi32>
        %bitcast3A_277 = vector.bitcast %and3A_276 : vector<16xi32> to vector<16xf32>
        %and3A_278 = arith.constant -65536 : i32
        %and3A_279 = vector.broadcast %and3A_278 : i32 to vector<16xi32>
        %and3A_280 = arith.andi %gather3A_222, %and3A_279 : vector<16xi32>
        %bitcast3A_281 = vector.bitcast %and3A_280 : vector<16xi32> to vector<16xf32>
        %and3A_282 = arith.constant -65536 : i32
        %and3A_283 = vector.broadcast %and3A_282 : i32 to vector<16xi32>
        %and3A_284 = arith.andi %gather3A_223, %and3A_283 : vector<16xi32>
        %bitcast3A_285 = vector.bitcast %and3A_284 : vector<16xi32> to vector<16xf32>
        tpu.vector_store_idx %arg7[%and3A_194], %bitcast3A {add = true} : memref<10016xf32, #tpu.memory_space<vmem>>[vector<16xi32>], vector<16xf32>,
        tpu.vector_store_idx %arg7[%and3A_197], %bitcast3A_229 {add = true} : memref<10016xf32, #tpu.memory_space<vmem>>[vector<16xi32>], vector<16xf32>,
        tpu.vector_store_idx %arg7[%and3A_200], %bitcast3A_233 {add = true} : memref<10016xf32, #tpu.memory_space<vmem>>[vector<16xi32>], vector<16xf32>,
        tpu.vector_store_idx %arg7[%and3A_203], %bitcast3A_237 {add = true} : memref<10016xf32, #tpu.memory_space<vmem>>[vector<16xi32>], vector<16xf32>,
        tpu.vector_store_idx %arg7[%and3A_206], %bitcast3A_241 {add = true} : memref<10016xf32, #tpu.memory_space<vmem>>[vector<16xi32>], vector<16xf32>,
        tpu.vector_store_idx %arg7[%and3A_209], %bitcast3A_245 {add = true} : memref<10016xf32, #tpu.memory_space<vmem>>[vector<16xi32>], vector<16xf32>,
        tpu.vector_store_idx %arg7[%and3A_212], %bitcast3A_249 {add = true} : memref<10016xf32, #tpu.memory_space<vmem>>[vector<16xi32>], vector<16xf32>,
        tpu.vector_store_idx %arg7[%and3A_215], %bitcast3A_253 {add = true} : memref<10016xf32, #tpu.memory_space<vmem>>[vector<16xi32>], vector<16xf32>,
        tpu.vector_store_idx %arg8[%and3A_194], %bitcast3A_257 {add = true} : memref<10016xf32, #tpu.memory_space<vmem>>[vector<16xi32>], vector<16xf32>,
        tpu.vector_store_idx %arg8[%and3A_197], %bitcast3A_261 {add = true} : memref<10016xf32, #tpu.memory_space<vmem>>[vector<16xi32>], vector<16xf32>,
        tpu.vector_store_idx %arg8[%and3A_200], %bitcast3A_265 {add = true} : memref<10016xf32, #tpu.memory_space<vmem>>[vector<16xi32>], vector<16xf32>,
        tpu.vector_store_idx %arg8[%and3A_203], %bitcast3A_269 {add = true} : memref<10016xf32, #tpu.memory_space<vmem>>[vector<16xi32>], vector<16xf32>,
        tpu.vector_store_idx %arg8[%and3A_206], %bitcast3A_273 {add = true} : memref<10016xf32, #tpu.memory_space<vmem>>[vector<16xi32>], vector<16xf32>,
        tpu.vector_store_idx %arg8[%and3A_209], %bitcast3A_277 {add = true} : memref<10016xf32, #tpu.memory_space<vmem>>[vector<16xi32>], vector<16xf32>,
        tpu.vector_store_idx %arg8[%and3A_212], %bitcast3A_281 {add = true} : memref<10016xf32, #tpu.memory_space<vmem>>[vector<16xi32>], vector<16xf32>,
        tpu.vector_store_idx %arg8[%and3A_215], %bitcast3A_285 {add = true} : memref<10016xf32, #tpu.memory_space<vmem>>[vector<16xi32>], vector<16xf32>,
        %scan3A_286 = arith.constant 0 : i32
        scf.yield %scan3A_286 : i32
      }
      %scan3A_78 = arith.constant 64 : i32
      %add3A_79 = arith.constant 2 : i32
      %add3A_80 = arith.addi %mul3A_55, %add3A_79 : i32
      %add3A_81 = arith.addi %add3A_80, %add3A : i32
      %rem3A_82 = arith.constant 40 : i32
      %rem3A_83 = arith.remsi %add3A_81, %rem3A_82 : i32
      %mul3A_84 = arith.constant 8192 : i32
      %mul3A_85 = arith.muli %rem3A_83, %mul3A_84 : i32
      %dma_start3A_86 = tpu.memref_slice %arg2[%mul3A_85] : memref<327680xi32, #tpu.memory_space<hbm>> -> memref<8192xi32, #tpu.memory_space<hbm>>
      %dma_start3A_87 = tpu.memref_slice %arg2[%mul3A_85] : memref<327680xi32, #tpu.memory_space<hbm>> -> memref<8192xi32, #tpu.memory_space<hbm>>
      tpu.enqueue_dma source(%dma_start3A_87 : memref<8192xi32, #tpu.memory_space<hbm>>) target(%arg9 : memref<8192xi32, #tpu.memory_space<vmem>>) target_semaphore(%arg12 : memref<!tpu.dma_semaphore, #tpu.memory_space<semaphore_mem>>)
      %add3A_88 = arith.constant 1 : i32
      %add3A_89 = arith.addi %mul3A_55, %add3A_88 : i32
      %add3A_90 = arith.addi %add3A_89, %add3A : i32
      %rem3A_91 = arith.constant 40 : i32
      %rem3A_92 = arith.remsi %add3A_90, %rem3A_91 : i32
      %mul3A_93 = arith.constant 8192 : i32
      %mul3A_94 = arith.muli %rem3A_92, %mul3A_93 : i32
      %dma_wait3A_95 = tpu.memref_slice %arg2[%mul3A_94] : memref<327680xi32, #tpu.memory_space<hbm>> -> memref<8192xi32, #tpu.memory_space<hbm>>
      %dma_wait3A_96 = tpu.memref_slice %arg2[%mul3A_94] : memref<327680xi32, #tpu.memory_space<hbm>> -> memref<8192xi32, #tpu.memory_space<hbm>>
      tpu.wait_dma2 semaphore(%arg13 : memref<!tpu.dma_semaphore, #tpu.memory_space<semaphore_mem>>) src(%dma_wait3A_96 : memref<8192xi32, #tpu.memory_space<hbm>>) dst(%arg10 : memref<8192xi32, #tpu.memory_space<vmem>>)
      %scan3A_97 = arith.constant 0 : i32
      %scan3A_98 = arith.constant 0 : i32
      %scan3A_99 = arith.constant 64 : i32
      %scan3A_100 = arith.addi %scan3A_98, %scan3A_99 : i32
      %scan3A_101 = arith.constant 1 : i32
      %scan3A_102 = scf.for %scan3A_105 = %scan3A_98 to %scan3A_100 step %scan3A_101 iter_args(%scan3A_106 = %scan3A_97) -> (i32)  : i32 {
        %mul3A_107 = arith.constant 8 : i32
        %mul3A_108 = arith.muli %scan3A_105, %mul3A_107 : i32
        %add3A_109 = arith.constant 0 : i32
        %add3A_110 = arith.addi %mul3A_108, %add3A_109 : i32
        %mul3A_111 = arith.constant 16 : i32
        %mul3A_112 = arith.muli %add3A_110, %mul3A_111 : i32
        %mul3A_113 = arith.constant 8 : i32
        %mul3A_114 = arith.muli %scan3A_105, %mul3A_113 : i32
        %add3A_115 = arith.constant 1 : i32
        %add3A_116 = arith.addi %mul3A_114, %add3A_115 : i32
        %mul3A_117 = arith.constant 16 : i32
        %mul3A_118 = arith.muli %add3A_116, %mul3A_117 : i32
        %mul3A_119 = arith.constant 8 : i32
        %mul3A_120 = arith.muli %scan3A_105, %mul3A_119 : i32
        %add3A_121 = arith.constant 2 : i32
        %add3A_122 = arith.addi %mul3A_120, %add3A_121 : i32
        %mul3A_123 = arith.constant 16 : i32
        %mul3A_124 = arith.muli %add3A_122, %mul3A_123 : i32
        %mul3A_125 = arith.constant 8 : i32
        %mul3A_126 = arith.muli %scan3A_105, %mul3A_125 : i32
        %add3A_127 = arith.constant 3 : i32
        %add3A_128 = arith.addi %mul3A_126, %add3A_127 : i32
        %mul3A_129 = arith.constant 16 : i32
        %mul3A_130 = arith.muli %add3A_128, %mul3A_129 : i32
        %mul3A_131 = arith.constant 8 : i32
        %mul3A_132 = arith.muli %scan3A_105, %mul3A_131 : i32
        %add3A_133 = arith.constant 4 : i32
        %add3A_134 = arith.addi %mul3A_132, %add3A_133 : i32
        %mul3A_135 = arith.constant 16 : i32
        %mul3A_136 = arith.muli %add3A_134, %mul3A_135 : i32
        %mul3A_137 = arith.constant 8 : i32
        %mul3A_138 = arith.muli %scan3A_105, %mul3A_137 : i32
        %add3A_139 = arith.constant 5 : i32
        %add3A_140 = arith.addi %mul3A_138, %add3A_139 : i32
        %mul3A_141 = arith.constant 16 : i32
        %mul3A_142 = arith.muli %add3A_140, %mul3A_141 : i32
        %mul3A_143 = arith.constant 8 : i32
        %mul3A_144 = arith.muli %scan3A_105, %mul3A_143 : i32
        %add3A_145 = arith.constant 6 : i32
        %add3A_146 = arith.addi %mul3A_144, %add3A_145 : i32
        %mul3A_147 = arith.constant 16 : i32
        %mul3A_148 = arith.muli %add3A_146, %mul3A_147 : i32
        %mul3A_149 = arith.constant 8 : i32
        %mul3A_150 = arith.muli %scan3A_105, %mul3A_149 : i32
        %add3A_151 = arith.constant 7 : i32
        %add3A_152 = arith.addi %mul3A_150, %add3A_151 : i32
        %mul3A_153 = arith.constant 16 : i32
        %mul3A_154 = arith.muli %add3A_152, %mul3A_153 : i32
        %get3A = arith.index_cast %mul3A_112 : i32 to index
        %get3A_155 = tpu.vector_load %arg10[%get3A] {strides = array<i32>} : memref<8192xi32, #tpu.memory_space<vmem>>, vector<16xi32>,
        %get3A_156 = arith.index_cast %mul3A_118 : i32 to index
        %get3A_157 = tpu.vector_load %arg10[%get3A_156] {strides = array<i32>} : memref<8192xi32, #tpu.memory_space<vmem>>, vector<16xi32>,
        %get3A_158 = arith.index_cast %mul3A_124 : i32 to index
        %get3A_159 = tpu.vector_load %arg10[%get3A_158] {strides = array<i32>} : memref<8192xi32, #tpu.memory_space<vmem>>, vector<16xi32>,
        %get3A_160 = arith.index_cast %mul3A_130 : i32 to index
        %get3A_161 = tpu.vector_load %arg10[%get3A_160] {strides = array<i32>} : memref<8192xi32, #tpu.memory_space<vmem>>, vector<16xi32>,
        %get3A_162 = arith.index_cast %mul3A_136 : i32 to index
        %get3A_163 = tpu.vector_load %arg10[%get3A_162] {strides = array<i32>} : memref<8192xi32, #tpu.memory_space<vmem>>, vector<16xi32>,
        %get3A_164 = arith.index_cast %mul3A_142 : i32 to index
        %get3A_165 = tpu.vector_load %arg10[%get3A_164] {strides = array<i32>} : memref<8192xi32, #tpu.memory_space<vmem>>, vector<16xi32>,
        %get3A_166 = arith.index_cast %mul3A_148 : i32 to index
        %get3A_167 = tpu.vector_load %arg10[%get3A_166] {strides = array<i32>} : memref<8192xi32, #tpu.memory_space<vmem>>, vector<16xi32>,
        %get3A_168 = arith.index_cast %mul3A_154 : i32 to index
        %get3A_169 = tpu.vector_load %arg10[%get3A_168] {strides = array<i32>} : memref<8192xi32, #tpu.memory_space<vmem>>, vector<16xi32>,
        %shift_right_arithmetic3A = arith.constant 14 : i32
        %shift_right_arithmetic3A_170 = vector.broadcast %shift_right_arithmetic3A : i32 to vector<16xi32>
        %shift_right_arithmetic3A_171 = arith.shrsi %get3A_155, %shift_right_arithmetic3A_170 : vector<16xi32>
        %shift_right_arithmetic3A_172 = arith.constant 14 : i32
        %shift_right_arithmetic3A_173 = vector.broadcast %shift_right_arithmetic3A_172 : i32 to vector<16xi32>
        %shift_right_arithmetic3A_174 = arith.shrsi %get3A_157, %shift_right_arithmetic3A_173 : vector<16xi32>
        %shift_right_arithmetic3A_175 = arith.constant 14 : i32
        %shift_right_arithmetic3A_176 = vector.broadcast %shift_right_arithmetic3A_175 : i32 to vector<16xi32>
        %shift_right_arithmetic3A_177 = arith.shrsi %get3A_159, %shift_right_arithmetic3A_176 : vector<16xi32>
        %shift_right_arithmetic3A_178 = arith.constant 14 : i32
        %shift_right_arithmetic3A_179 = vector.broadcast %shift_right_arithmetic3A_178 : i32 to vector<16xi32>
        %shift_right_arithmetic3A_180 = arith.shrsi %get3A_161, %shift_right_arithmetic3A_179 : vector<16xi32>
        %shift_right_arithmetic3A_181 = arith.constant 14 : i32
        %shift_right_arithmetic3A_182 = vector.broadcast %shift_right_arithmetic3A_181 : i32 to vector<16xi32>
        %shift_right_arithmetic3A_183 = arith.shrsi %get3A_163, %shift_right_arithmetic3A_182 : vector<16xi32>
        %shift_right_arithmetic3A_184 = arith.constant 14 : i32
        %shift_right_arithmetic3A_185 = vector.broadcast %shift_right_arithmetic3A_184 : i32 to vector<16xi32>
        %shift_right_arithmetic3A_186 = arith.shrsi %get3A_165, %shift_right_arithmetic3A_185 : vector<16xi32>
        %shift_right_arithmetic3A_187 = arith.constant 14 : i32
        %shift_right_arithmetic3A_188 = vector.broadcast %shift_right_arithmetic3A_187 : i32 to vector<16xi32>
        %shift_right_arithmetic3A_189 = arith.shrsi %get3A_167, %shift_right_arithmetic3A_188 : vector<16xi32>
        %shift_right_arithmetic3A_190 = arith.constant 14 : i32
        %shift_right_arithmetic3A_191 = vector.broadcast %shift_right_arithmetic3A_190 : i32 to vector<16xi32>
        %shift_right_arithmetic3A_192 = arith.shrsi %get3A_169, %shift_right_arithmetic3A_191 : vector<16xi32>
        %and3A = arith.constant 16383 : i32
        %and3A_193 = vector.broadcast %and3A : i32 to vector<16xi32>
        %and3A_194 = arith.andi %get3A_155, %and3A_193 : vector<16xi32>
        %and3A_195 = arith.constant 16383 : i32
        %and3A_196 = vector.broadcast %and3A_195 : i32 to vector<16xi32>
        %and3A_197 = arith.andi %get3A_157, %and3A_196 : vector<16xi32>
        %and3A_198 = arith.constant 16383 : i32
        %and3A_199 = vector.broadcast %and3A_198 : i32 to vector<16xi32>
        %and3A_200 = arith.andi %get3A_159, %and3A_199 : vector<16xi32>
        %and3A_201 = arith.constant 16383 : i32
        %and3A_202 = vector.broadcast %and3A_201 : i32 to vector<16xi32>
        %and3A_203 = arith.andi %get3A_161, %and3A_202 : vector<16xi32>
        %and3A_204 = arith.constant 16383 : i32
        %and3A_205 = vector.broadcast %and3A_204 : i32 to vector<16xi32>
        %and3A_206 = arith.andi %get3A_163, %and3A_205 : vector<16xi32>
        %and3A_207 = arith.constant 16383 : i32
        %and3A_208 = vector.broadcast %and3A_207 : i32 to vector<16xi32>
        %and3A_209 = arith.andi %get3A_165, %and3A_208 : vector<16xi32>
        %and3A_210 = arith.constant 16383 : i32
        %and3A_211 = vector.broadcast %and3A_210 : i32 to vector<16xi32>
        %and3A_212 = arith.andi %get3A_167, %and3A_211 : vector<16xi32>
        %and3A_213 = arith.constant 16383 : i32
        %and3A_214 = vector.broadcast %and3A_213 : i32 to vector<16xi32>
        %and3A_215 = arith.andi %get3A_169, %and3A_214 : vector<16xi32>
        %gather3A_216 = tpu.vector_load_idx %arg6[%shift_right_arithmetic3A_171] : memref<10000xi32, #tpu.memory_space<vmem>>[vector<16xi32>], vector<16xi32>,
        %gather3A_217 = tpu.vector_load_idx %arg6[%shift_right_arithmetic3A_174] : memref<10000xi32, #tpu.memory_space<vmem>>[vector<16xi32>], vector<16xi32>,
        %gather3A_218 = tpu.vector_load_idx %arg6[%shift_right_arithmetic3A_177] : memref<10000xi32, #tpu.memory_space<vmem>>[vector<16xi32>], vector<16xi32>,
        %gather3A_219 = tpu.vector_load_idx %arg6[%shift_right_arithmetic3A_180] : memref<10000xi32, #tpu.memory_space<vmem>>[vector<16xi32>], vector<16xi32>,
        %gather3A_220 = tpu.vector_load_idx %arg6[%shift_right_arithmetic3A_183] : memref<10000xi32, #tpu.memory_space<vmem>>[vector<16xi32>], vector<16xi32>,
        %gather3A_221 = tpu.vector_load_idx %arg6[%shift_right_arithmetic3A_186] : memref<10000xi32, #tpu.memory_space<vmem>>[vector<16xi32>], vector<16xi32>,
        %gather3A_222 = tpu.vector_load_idx %arg6[%shift_right_arithmetic3A_189] : memref<10000xi32, #tpu.memory_space<vmem>>[vector<16xi32>], vector<16xi32>,
        %gather3A_223 = tpu.vector_load_idx %arg6[%shift_right_arithmetic3A_192] : memref<10000xi32, #tpu.memory_space<vmem>>[vector<16xi32>], vector<16xi32>,
        %shift_left3A = arith.constant 16 : i32
        %shift_left3A_224 = vector.broadcast %shift_left3A : i32 to vector<16xi32>
        %shift_left3A_225 = arith.shli %gather3A_216, %shift_left3A_224 : vector<16xi32>
        %bitcast3A = vector.bitcast %shift_left3A_225 : vector<16xi32> to vector<16xf32>
        %shift_left3A_226 = arith.constant 16 : i32
        %shift_left3A_227 = vector.broadcast %shift_left3A_226 : i32 to vector<16xi32>
        %shift_left3A_228 = arith.shli %gather3A_217, %shift_left3A_227 : vector<16xi32>
        %bitcast3A_229 = vector.bitcast %shift_left3A_228 : vector<16xi32> to vector<16xf32>
        %shift_left3A_230 = arith.constant 16 : i32
        %shift_left3A_231 = vector.broadcast %shift_left3A_230 : i32 to vector<16xi32>
        %shift_left3A_232 = arith.shli %gather3A_218, %shift_left3A_231 : vector<16xi32>
        %bitcast3A_233 = vector.bitcast %shift_left3A_232 : vector<16xi32> to vector<16xf32>
        %shift_left3A_234 = arith.constant 16 : i32
        %shift_left3A_235 = vector.broadcast %shift_left3A_234 : i32 to vector<16xi32>
        %shift_left3A_236 = arith.shli %gather3A_219, %shift_left3A_235 : vector<16xi32>
        %bitcast3A_237 = vector.bitcast %shift_left3A_236 : vector<16xi32> to vector<16xf32>
        %shift_left3A_238 = arith.constant 16 : i32
        %shift_left3A_239 = vector.broadcast %shift_left3A_238 : i32 to vector<16xi32>
        %shift_left3A_240 = arith.shli %gather3A_220, %shift_left3A_239 : vector<16xi32>
        %bitcast3A_241 = vector.bitcast %shift_left3A_240 : vector<16xi32> to vector<16xf32>
        %shift_left3A_242 = arith.constant 16 : i32
        %shift_left3A_243 = vector.broadcast %shift_left3A_242 : i32 to vector<16xi32>
        %shift_left3A_244 = arith.shli %gather3A_221, %shift_left3A_243 : vector<16xi32>
        %bitcast3A_245 = vector.bitcast %shift_left3A_244 : vector<16xi32> to vector<16xf32>
        %shift_left3A_246 = arith.constant 16 : i32
        %shift_left3A_247 = vector.broadcast %shift_left3A_246 : i32 to vector<16xi32>
        %shift_left3A_248 = arith.shli %gather3A_222, %shift_left3A_247 : vector<16xi32>
        %bitcast3A_249 = vector.bitcast %shift_left3A_248 : vector<16xi32> to vector<16xf32>
        %shift_left3A_250 = arith.constant 16 : i32
        %shift_left3A_251 = vector.broadcast %shift_left3A_250 : i32 to vector<16xi32>
        %shift_left3A_252 = arith.shli %gather3A_223, %shift_left3A_251 : vector<16xi32>
        %bitcast3A_253 = vector.bitcast %shift_left3A_252 : vector<16xi32> to vector<16xf32>
        %and3A_254 = arith.constant -65536 : i32
        %and3A_255 = vector.broadcast %and3A_254 : i32 to vector<16xi32>
        %and3A_256 = arith.andi %gather3A_216, %and3A_255 : vector<16xi32>
        %bitcast3A_257 = vector.bitcast %and3A_256 : vector<16xi32> to vector<16xf32>
        %and3A_258 = arith.constant -65536 : i32
        %and3A_259 = vector.broadcast %and3A_258 : i32 to vector<16xi32>
        %and3A_260 = arith.andi %gather3A_217, %and3A_259 : vector<16xi32>
        %bitcast3A_261 = vector.bitcast %and3A_260 : vector<16xi32> to vector<16xf32>
        %and3A_262 = arith.constant -65536 : i32
        %and3A_263 = vector.broadcast %and3A_262 : i32 to vector<16xi32>
        %and3A_264 = arith.andi %gather3A_218, %and3A_263 : vector<16xi32>
        %bitcast3A_265 = vector.bitcast %and3A_264 : vector<16xi32> to vector<16xf32>
        %and3A_266 = arith.constant -65536 : i32
        %and3A_267 = vector.broadcast %and3A_266 : i32 to vector<16xi32>
        %and3A_268 = arith.andi %gather3A_219, %and3A_267 : vector<16xi32>
        %bitcast3A_269 = vector.bitcast %and3A_268 : vector<16xi32> to vector<16xf32>
        %and3A_270 = arith.constant -65536 : i32
        %and3A_271 = vector.broadcast %and3A_270 : i32 to vector<16xi32>
        %and3A_272 = arith.andi %gather3A_220, %and3A_271 : vector<16xi32>
        %bitcast3A_273 = vector.bitcast %and3A_272 : vector<16xi32> to vector<16xf32>
        %and3A_274 = arith.constant -65536 : i32
        %and3A_275 = vector.broadcast %and3A_274 : i32 to vector<16xi32>
        %and3A_276 = arith.andi %gather3A_221, %and3A_275 : vector<16xi32>
        %bitcast3A_277 = vector.bitcast %and3A_276 : vector<16xi32> to vector<16xf32>
        %and3A_278 = arith.constant -65536 : i32
        %and3A_279 = vector.broadcast %and3A_278 : i32 to vector<16xi32>
        %and3A_280 = arith.andi %gather3A_222, %and3A_279 : vector<16xi32>
        %bitcast3A_281 = vector.bitcast %and3A_280 : vector<16xi32> to vector<16xf32>
        %and3A_282 = arith.constant -65536 : i32
        %and3A_283 = vector.broadcast %and3A_282 : i32 to vector<16xi32>
        %and3A_284 = arith.andi %gather3A_223, %and3A_283 : vector<16xi32>
        %bitcast3A_285 = vector.bitcast %and3A_284 : vector<16xi32> to vector<16xf32>
        tpu.vector_store_idx %arg7[%and3A_194], %bitcast3A {add = true} : memref<10016xf32, #tpu.memory_space<vmem>>[vector<16xi32>], vector<16xf32>,
        tpu.vector_store_idx %arg7[%and3A_197], %bitcast3A_229 {add = true} : memref<10016xf32, #tpu.memory_space<vmem>>[vector<16xi32>], vector<16xf32>,
        tpu.vector_store_idx %arg7[%and3A_200], %bitcast3A_233 {add = true} : memref<10016xf32, #tpu.memory_space<vmem>>[vector<16xi32>], vector<16xf32>,
        tpu.vector_store_idx %arg7[%and3A_203], %bitcast3A_237 {add = true} : memref<10016xf32, #tpu.memory_space<vmem>>[vector<16xi32>], vector<16xf32>,
        tpu.vector_store_idx %arg7[%and3A_206], %bitcast3A_241 {add = true} : memref<10016xf32, #tpu.memory_space<vmem>>[vector<16xi32>], vector<16xf32>,
        tpu.vector_store_idx %arg7[%and3A_209], %bitcast3A_245 {add = true} : memref<10016xf32, #tpu.memory_space<vmem>>[vector<16xi32>], vector<16xf32>,
        tpu.vector_store_idx %arg7[%and3A_212], %bitcast3A_249 {add = true} : memref<10016xf32, #tpu.memory_space<vmem>>[vector<16xi32>], vector<16xf32>,
        tpu.vector_store_idx %arg7[%and3A_215], %bitcast3A_253 {add = true} : memref<10016xf32, #tpu.memory_space<vmem>>[vector<16xi32>], vector<16xf32>,
        tpu.vector_store_idx %arg8[%and3A_194], %bitcast3A_257 {add = true} : memref<10016xf32, #tpu.memory_space<vmem>>[vector<16xi32>], vector<16xf32>,
        tpu.vector_store_idx %arg8[%and3A_197], %bitcast3A_261 {add = true} : memref<10016xf32, #tpu.memory_space<vmem>>[vector<16xi32>], vector<16xf32>,
        tpu.vector_store_idx %arg8[%and3A_200], %bitcast3A_265 {add = true} : memref<10016xf32, #tpu.memory_space<vmem>>[vector<16xi32>], vector<16xf32>,
        tpu.vector_store_idx %arg8[%and3A_203], %bitcast3A_269 {add = true} : memref<10016xf32, #tpu.memory_space<vmem>>[vector<16xi32>], vector<16xf32>,
        tpu.vector_store_idx %arg8[%and3A_206], %bitcast3A_273 {add = true} : memref<10016xf32, #tpu.memory_space<vmem>>[vector<16xi32>], vector<16xf32>,
        tpu.vector_store_idx %arg8[%and3A_209], %bitcast3A_277 {add = true} : memref<10016xf32, #tpu.memory_space<vmem>>[vector<16xi32>], vector<16xf32>,
        tpu.vector_store_idx %arg8[%and3A_212], %bitcast3A_281 {add = true} : memref<10016xf32, #tpu.memory_space<vmem>>[vector<16xi32>], vector<16xf32>,
        tpu.vector_store_idx %arg8[%and3A_215], %bitcast3A_285 {add = true} : memref<10016xf32, #tpu.memory_space<vmem>>[vector<16xi32>], vector<16xf32>,
        %scan3A_286 = arith.constant 0 : i32
        scf.yield %scan3A_286 : i32
      }
      %scan3A_103 = arith.constant 64 : i32
      %scan3A_104 = arith.constant 0 : i32
      scf.yield %scan3A_104 : i32
    }
    %scan3A_21 = arith.constant 20 : i32
    %add3A_22 = arith.constant 40 : i32
    %add3A_23 = arith.addi %add3A_22, %add3A : i32
    %rem3A_24 = arith.constant 40 : i32
    %rem3A_25 = arith.remsi %add3A_23, %rem3A_24 : i32
    %mul3A_26 = arith.constant 8192 : i32
    %mul3A_27 = arith.muli %rem3A_25, %mul3A_26 : i32
    %dma_wait3A = tpu.memref_slice %arg2[%mul3A_27] : memref<327680xi32, #tpu.memory_space<hbm>> -> memref<8192xi32, #tpu.memory_space<hbm>>
    %dma_wait3A_28 = tpu.memref_slice %arg2[%mul3A_27] : memref<327680xi32, #tpu.memory_space<hbm>> -> memref<8192xi32, #tpu.memory_space<hbm>>
    tpu.wait_dma2 semaphore(%arg12 : memref<!tpu.dma_semaphore, #tpu.memory_space<semaphore_mem>>) src(%dma_wait3A_28 : memref<8192xi32, #tpu.memory_space<hbm>>) dst(%arg9 : memref<8192xi32, #tpu.memory_space<vmem>>)
    %iota3A = tpu.iota {dimensions = array<i32: 0>} : vector<16xi32>
    %mul3A_29 = arith.constant 0 : i32
    %mul3A_30 = vector.broadcast %mul3A_29 : i32 to vector<16xi32>
    %mul3A_31 = arith.muli %iota3A, %mul3A_30 : vector<16xi32>
    %add3A_32 = vector.broadcast %mul3A_2 : i32 to vector<16xi32>
    %add3A_33 = arith.addi %mul3A_31, %add3A_32 : vector<16xi32>
    %gather3A = tpu.vector_load_idx %arg11[%add3A_33] : memref<64xf32, #tpu.memory_space<vmem>>[vector<16xi32>], vector<16xf32>,
    %mul3A_34 = arith.constant 0 : i32
    %mul3A_35 = vector.broadcast %mul3A_34 : i32 to vector<16xi32>
    %mul3A_36 = arith.muli %iota3A, %mul3A_35 : vector<16xi32>
    %add3A_37 = vector.broadcast %mul3A_2 : i32 to vector<16xi32>
    %add3A_38 = arith.addi %mul3A_36, %add3A_37 : vector<16xi32>
    %add3A_39 = arith.constant 1 : i32
    %add3A_40 = vector.broadcast %add3A_39 : i32 to vector<16xi32>
    %add3A_41 = arith.addi %add3A_38, %add3A_40 : vector<16xi32>
    %gather3A_42 = tpu.vector_load_idx %arg11[%add3A_41] : memref<64xf32, #tpu.memory_space<vmem>>[vector<16xi32>], vector<16xf32>,
    %scan3A_43 = arith.constant 0 : i32
    %scan3A_44 = arith.constant 0 : i32
    %scan3A_45 = arith.constant 625 : i32
    %scan3A_46 = arith.addi %scan3A_44, %scan3A_45 : i32
    %scan3A_47 = arith.constant 1 : i32
    %scan3A_48 = scf.for %scan3A_52 = %scan3A_44 to %scan3A_46 step %scan3A_47 iter_args(%scan3A_53 = %scan3A_43) -> (i32)  : i32 {
      %mul3A_54 = arith.constant 16 : i32
      %mul3A_55 = arith.muli %scan3A_52, %mul3A_54 : i32
      %get3A = arith.index_cast %mul3A_55 : i32 to index
      %get3A_56 = tpu.vector_load %arg6[%get3A] {strides = array<i32>} : memref<10000xi32, #tpu.memory_space<vmem>>, vector<16xi32>,
      %shift_left3A = arith.constant 16 : i32
      %shift_left3A_57 = vector.broadcast %shift_left3A : i32 to vector<16xi32>
      %shift_left3A_58 = arith.shli %get3A_56, %shift_left3A_57 : vector<16xi32>
      %bitcast3A = vector.bitcast %shift_left3A_58 : vector<16xi32> to vector<16xf32>
      %and3A = arith.constant -65536 : i32
      %and3A_59 = vector.broadcast %and3A : i32 to vector<16xi32>
      %and3A_60 = arith.andi %get3A_56, %and3A_59 : vector<16xi32>
      %bitcast3A_61 = vector.bitcast %and3A_60 : vector<16xi32> to vector<16xf32>
      %get3A_62 = arith.index_cast %mul3A_55 : i32 to index
      %get3A_63 = tpu.vector_load %arg7[%get3A_62] {strides = array<i32>} : memref<10016xf32, #tpu.memory_space<vmem>>, vector<16xf32>,
      %add3A_64 = arith.addf %get3A_63, %bitcast3A : vector<16xf32>
      %add3A_65 = arith.addf %add3A_64, %gather3A : vector<16xf32>
      %swap3A = arith.index_cast %mul3A_55 : i32 to index
      %swap3A_66 = tpu.vector_load %arg7[%swap3A] {strides = array<i32>} : memref<10016xf32, #tpu.memory_space<vmem>>, vector<16xf32>,
      tpu.vector_store %arg7[%swap3A], %add3A_65 {strides = array<i32>} : memref<10016xf32, #tpu.memory_space<vmem>>, vector<16xf32>,
      %get3A_67 = arith.index_cast %mul3A_55 : i32 to index
      %get3A_68 = tpu.vector_load %arg8[%get3A_67] {strides = array<i32>} : memref<10016xf32, #tpu.memory_space<vmem>>, vector<16xf32>,
      %add3A_69 = arith.addf %get3A_68, %bitcast3A_61 : vector<16xf32>
      %add3A_70 = arith.addf %add3A_69, %gather3A_42 : vector<16xf32>
      %swap3A_71 = arith.index_cast %mul3A_55 : i32 to index
      %swap3A_72 = tpu.vector_load %arg8[%swap3A_71] {strides = array<i32>} : memref<10016xf32, #tpu.memory_space<vmem>>, vector<16xf32>,
      tpu.vector_store %arg8[%swap3A_71], %add3A_70 {strides = array<i32>} : memref<10016xf32, #tpu.memory_space<vmem>>, vector<16xf32>,
      %scan3A_73 = arith.constant 0 : i32
      scf.yield %scan3A_73 : i32
    }
    %scan3A_49 = arith.constant 625 : i32
    "tpu.region"() ({
      %run_scoped3A = tpu.sem_alloc : memref<!tpu.dma_semaphore, #tpu.memory_space<semaphore_mem>>
      %dma_start3A_52 = arith.constant 0 : i32
      %dma_start3A_53 = tpu.memref_slice %arg7[%dma_start3A_52] : memref<10016xf32, #tpu.memory_space<vmem>> -> memref<10000xf32, #tpu.memory_space<vmem>>
      %dma_start3A_54 = arith.constant 0 : i32
      %dma_start3A_55 = tpu.memref_slice %arg5[%mul3A_2, %dma_start3A_54] : memref<64x10000xf32, #tpu.memory_space<hbm>> -> memref<1x10000xf32, #tpu.memory_space<hbm>>
      %dma_start3A_56 = tpu.memref_squeeze %dma_start3A_55 : memref<1x10000xf32, #tpu.memory_space<hbm>> -> memref<10000xf32, #tpu.memory_space<hbm>>
      %dma_start3A_57 = arith.constant 0 : i32
      %dma_start3A_58 = tpu.memref_slice %arg5[%mul3A_2, %dma_start3A_57] : memref<64x10000xf32, #tpu.memory_space<hbm>> -> memref<1x10000xf32, #tpu.memory_space<hbm>>
      %dma_start3A_59 = tpu.memref_squeeze %dma_start3A_58 : memref<1x10000xf32, #tpu.memory_space<hbm>> -> memref<10000xf32, #tpu.memory_space<hbm>>
      %dma_start3A_60 = arith.constant 0 : i32
      %dma_start3A_61 = tpu.memref_slice %arg7[%dma_start3A_60] : memref<10016xf32, #tpu.memory_space<vmem>> -> memref<10000xf32, #tpu.memory_space<vmem>>
      tpu.enqueue_dma source(%dma_start3A_61 : memref<10000xf32, #tpu.memory_space<vmem>>) target(%dma_start3A_59 : memref<10000xf32, #tpu.memory_space<hbm>>) target_semaphore(%run_scoped3A : memref<!tpu.dma_semaphore, #tpu.memory_space<semaphore_mem>>)
      %dma_wait3A_62 = arith.constant 0 : i32
      %dma_wait3A_63 = tpu.memref_slice %arg7[%dma_wait3A_62] : memref<10016xf32, #tpu.memory_space<vmem>> -> memref<10000xf32, #tpu.memory_space<vmem>>
      %dma_wait3A_64 = arith.constant 0 : i32
      %dma_wait3A_65 = tpu.memref_slice %arg5[%mul3A_2, %dma_wait3A_64] : memref<64x10000xf32, #tpu.memory_space<hbm>> -> memref<1x10000xf32, #tpu.memory_space<hbm>>
      %dma_wait3A_66 = tpu.memref_squeeze %dma_wait3A_65 : memref<1x10000xf32, #tpu.memory_space<hbm>> -> memref<10000xf32, #tpu.memory_space<hbm>>
      %dma_wait3A_67 = arith.constant 0 : i32
      %dma_wait3A_68 = tpu.memref_slice %arg5[%mul3A_2, %dma_wait3A_67] : memref<64x10000xf32, #tpu.memory_space<hbm>> -> memref<1x10000xf32, #tpu.memory_space<hbm>>
      %dma_wait3A_69 = tpu.memref_squeeze %dma_wait3A_68 : memref<1x10000xf32, #tpu.memory_space<hbm>> -> memref<10000xf32, #tpu.memory_space<hbm>>
      %dma_wait3A_70 = arith.constant 0 : i32
      %dma_wait3A_71 = tpu.memref_slice %arg7[%dma_wait3A_70] : memref<10016xf32, #tpu.memory_space<vmem>> -> memref<10000xf32, #tpu.memory_space<vmem>>
      tpu.wait_dma2 semaphore(%run_scoped3A : memref<!tpu.dma_semaphore, #tpu.memory_space<semaphore_mem>>) src(%dma_wait3A_71 : memref<10000xf32, #tpu.memory_space<vmem>>) dst(%dma_wait3A_69 : memref<10000xf32, #tpu.memory_space<hbm>>)
      tpu.yield
    }) : () -> ()
    %add3A_50 = arith.constant 1 : i32
    %add3A_51 = arith.addi %mul3A_2, %add3A_50 : i32
    "tpu.region"() ({
      %run_scoped3A = tpu.sem_alloc : memref<!tpu.dma_semaphore, #tpu.memory_space<semaphore_mem>>
      %dma_start3A_52 = arith.constant 0 : i32
      %dma_start3A_53 = tpu.memref_slice %arg8[%dma_start3A_52] : memref<10016xf32, #tpu.memory_space<vmem>> -> memref<10000xf32, #tpu.memory_space<vmem>>
      %dma_start3A_54 = arith.constant 0 : i32
      %dma_start3A_55 = tpu.memref_slice %arg5[%add3A_51, %dma_start3A_54] : memref<64x10000xf32, #tpu.memory_space<hbm>> -> memref<1x10000xf32, #tpu.memory_space<hbm>>
      %dma_start3A_56 = tpu.memref_squeeze %dma_start3A_55 : memref<1x10000xf32, #tpu.memory_space<hbm>> -> memref<10000xf32, #tpu.memory_space<hbm>>
      %dma_start3A_57 = arith.constant 0 : i32
      %dma_start3A_58 = tpu.memref_slice %arg5[%add3A_51, %dma_start3A_57] : memref<64x10000xf32, #tpu.memory_space<hbm>> -> memref<1x10000xf32, #tpu.memory_space<hbm>>
      %dma_start3A_59 = tpu.memref_squeeze %dma_start3A_58 : memref<1x10000xf32, #tpu.memory_space<hbm>> -> memref<10000xf32, #tpu.memory_space<hbm>>
      %dma_start3A_60 = arith.constant 0 : i32
      %dma_start3A_61 = tpu.memref_slice %arg8[%dma_start3A_60] : memref<10016xf32, #tpu.memory_space<vmem>> -> memref<10000xf32, #tpu.memory_space<vmem>>
      tpu.enqueue_dma source(%dma_start3A_61 : memref<10000xf32, #tpu.memory_space<vmem>>) target(%dma_start3A_59 : memref<10000xf32, #tpu.memory_space<hbm>>) target_semaphore(%run_scoped3A : memref<!tpu.dma_semaphore, #tpu.memory_space<semaphore_mem>>)
      %dma_wait3A_62 = arith.constant 0 : i32
      %dma_wait3A_63 = tpu.memref_slice %arg8[%dma_wait3A_62] : memref<10016xf32, #tpu.memory_space<vmem>> -> memref<10000xf32, #tpu.memory_space<vmem>>
      %dma_wait3A_64 = arith.constant 0 : i32
      %dma_wait3A_65 = tpu.memref_slice %arg5[%add3A_51, %dma_wait3A_64] : memref<64x10000xf32, #tpu.memory_space<hbm>> -> memref<1x10000xf32, #tpu.memory_space<hbm>>
      %dma_wait3A_66 = tpu.memref_squeeze %dma_wait3A_65 : memref<1x10000xf32, #tpu.memory_space<hbm>> -> memref<10000xf32, #tpu.memory_space<hbm>>
      %dma_wait3A_67 = arith.constant 0 : i32
      %dma_wait3A_68 = tpu.memref_slice %arg5[%add3A_51, %dma_wait3A_67] : memref<64x10000xf32, #tpu.memory_space<hbm>> -> memref<1x10000xf32, #tpu.memory_space<hbm>>
      %dma_wait3A_69 = tpu.memref_squeeze %dma_wait3A_68 : memref<1x10000xf32, #tpu.memory_space<hbm>> -> memref<10000xf32, #tpu.memory_space<hbm>>
      %dma_wait3A_70 = arith.constant 0 : i32
      %dma_wait3A_71 = tpu.memref_slice %arg8[%dma_wait3A_70] : memref<10016xf32, #tpu.memory_space<vmem>> -> memref<10000xf32, #tpu.memory_space<vmem>>
      tpu.wait_dma2 semaphore(%run_scoped3A : memref<!tpu.dma_semaphore, #tpu.memory_space<semaphore_mem>>) src(%dma_wait3A_71 : memref<10000xf32, #tpu.memory_space<vmem>>) dst(%dma_wait3A_69 : memref<10000xf32, #tpu.memory_space<hbm>>)
      tpu.yield
    }) : () -> ()
    return
  }
}

module attributes {stable_mosaic.version = 14 : i64} {
  func.func @_mm_body(%arg0: memref<128x64xf32, #tpu.memory_space<vmem>>, %arg1: memref<10000x128xf32, #tpu.memory_space<vmem>>, %arg2: memref<64x10000xf32, #tpu.memory_space<vmem>>) attributes {dimension_semantics = [], scalar_prefetch = 0 : i64, scratch_operands = 0 : i64, tpu.core_type = #tpu.core_type<tc>} {
    %get3A = arith.constant 0 : index
    %get3A_0 = arith.constant 0 : index
    %get3A_1 = vector.load %arg0[%get3A, %get3A_0] : memref<128x64xf32, #tpu.memory_space<vmem>>, vector<128x64xf32>
    %get3A_2 = arith.constant 0 : index
    %get3A_3 = arith.constant 0 : index
    %get3A_4 = vector.load %arg1[%get3A_2, %get3A_3] : memref<10000x128xf32, #tpu.memory_space<vmem>>, vector<10000x128xf32>
    %dot_general3A = arith.constant dense<0.000000e+00> : vector<64x10000xf32>
    %dot_general3A_5 = tpu.matmul %get3A_1, %get3A_4, %dot_general3A {dimension_numbers = #tpu.dot_dimension_numbers<[0], [1], [1], [0], [0, 1, 1, 0], [], []>, transpose_lhs_hint = false} : vector<128x64xf32>, vector<10000x128xf32>, vector<64x10000xf32> -> vector<64x10000xf32>
    %swap3A = arith.constant 0 : index
    %swap3A_6 = arith.constant 0 : index
    %swap3A_7 = vector.load %arg2[%swap3A, %swap3A_6] : memref<64x10000xf32, #tpu.memory_space<vmem>>, vector<64x10000xf32>
    tpu.vector_store %arg2[%swap3A, %swap3A_6], %dot_general3A_5 {strides = array<i32>} : memref<64x10000xf32, #tpu.memory_space<vmem>>, vector<64x10000xf32>,
    return
  }
}

module attributes {stable_mosaic.version = 14 : i64} {
  func.func @_tr_body(%arg0: memref<64x10000xf32, #tpu.memory_space<vmem>>, %arg1: memref<10000x64xf32, #tpu.memory_space<vmem>>) attributes {dimension_semantics = [], scalar_prefetch = 0 : i64, scratch_operands = 0 : i64, tpu.core_type = #tpu.core_type<tc>} {
    %get3A = arith.constant 0 : index
    %get3A_0 = arith.constant 0 : index
    %get3A_1 = vector.load %arg0[%get3A, %get3A_0] : memref<64x10000xf32, #tpu.memory_space<vmem>>, vector<64x10000xf32>
    %transpose3A = tpu.transpose %get3A_1, [1, 0] : vector<64x10000xf32> -> vector<10000x64xf32>
    %swap3A = arith.constant 0 : index
    %swap3A_2 = arith.constant 0 : index
    %swap3A_3 = vector.load %arg1[%swap3A, %swap3A_2] : memref<10000x64xf32, #tpu.memory_space<vmem>>, vector<10000x64xf32>
    tpu.vector_store %arg1[%swap3A, %swap3A_2], %transpose3A {strides = array<i32>} : memref<10000x64xf32, #tpu.memory_space<vmem>>, vector<10000x64xf32>,
    return
  }
}

</mosaic_0001>

<sc_bundles>
// kernel: kernel.5.cloned.1.call-start
scs
__scs_entry_jumppad:
0x0: {  	(pc) =	sbr.rel $0x88, $3  }
0x1: {  	(tag) =	ssettag $0x0;
	lr =	simm.s32 $0x1  }
0x2: {  	[smem:$0x3F9D] =	sst lr;
	_ =	strace $0xD0000000  }
0x3: {  	_ = 	snop  }
0x4: {  	_ = 	snop  }
0x5: {  	_ = 	snop  }
0x6: {  	_ = 	snop  }
0x7: {  	_ = 	snop  }
__scs_overlays_trampoline_lowered:
0x8: {  	[smem:$0x3FAC] =	sst s0  }
0x9: {  	[smem:$0x3FAD] =	sst s1  }
0xa: {  	[smem:$0x3FAE] =	sst s2  }
0xb: {  	[smem:$0x3FAF] =	sst s3  }
0xc: {  	[smem:$0x3FB0] =	sst s4  }
0xd: {  	[smem:$0x3FB1] =	sst s5  }
0xe: {  	[smem:$0x3FB2] =	sst s6  }
0xf: {  	[smem:$0x3FB3] =	sst s7  }
0x10: {  	[smem:$0x3FB4] =	sst s8  }
0x11: {  	[smem:$0x3FB5] =	sst s9;
	s0 =	simm.s32 @!p0 $0x0  }
0x12: {  	s1 =	sld [smem:$0x3F9B];
	s0 =	simm.s32 @p0 $0x1  }
0x13: {  	[smem:$0x3FB6] =	sst s0;
	s0 =	simm.s32 @!p1 $0x0  }
0x14: {  	s2 =	sld [smem:$0x3F9A];
	s0 =	simm.s32 @p1 $0x1  }
0x15: {  	[smem:$0x3FB7] =	sst s0;
	s0 =	simm.s32 @!p2 $0x0  }
0x16: {  	s3 =	sld [smem:$0x3FDB];
	s0 =	simm.s32 @p2 $0x1  }
0x17: {  	s4 =	simm.s32 $0x1BF5;
	[smem:$0x3FB9] =	sst s0  }
0x18: {  	s0 =	sld [smem:$0x3F9C];
	_ =	swait.ge [sflag:s4], $0x0  }
0x19: {  	s7 =	sld [smem:$0x3F9D]  }
0x1a: {  	s8 =	sadd.s32 $0xFFFFE003, lr  }
0x1b: {  	s9 =	sadd.s32 $0xFFFFFEF7, lr;
	s5 =	simm.s32 $0xFFFFFFFF;
	p2 =	slt.u32 s8, $0xFFFFF086  }
0x1c: {  	p1 =	slt.u32 s9, $0xF7A;
	s5 =	simm.s32 @!p2 $0x0  }
0x1d: {  	s5 =	simm.s32 @p1 $0x1;
	p0 =	seq.s32 s7, s2  }
0x1e: {  	s7 =	smul.u32 @!p0 $0xF7A, s2;
	p2 =	seq.s32 @!p0 s5, $0x0  }
0x1f: {  	s9 =	smul.u32 $0xF7A, s1;
	s8 =	simm.s32 @!p0 $0x1BF5;
	p2 =	por !p2, p0  }
0x20: {  	[sflag:s8] =	ssyncset.s32 @!p0 $0xFFFFF086;
	s6 =	sadd.s32 @!p0 s3, s7;
	s7 =	simm.s32 @!p0 $0x108  }
0x21: {  	s3 =	sadd.s32 s3, s9;
	s6 =	sadd.s32 @!p0 $0x88, s6;
	s7 =	simm.s32 @p2 $0x1082  }
0x22: {  	[simem:s7], [sflag:s8] =	dma.local @!p0 [hbm:s6], $0xF7A  }
0x23: {  	s9 =	sor.u32 $0xD0000000, s2;
	s6 =	simm.s32 $0x108;
	_ =	swait.ge @!p0 [sflag:s8], $0x0  }
0x24: {  	s3 =	sadd.s32 $0x88, s3;
	s6 =	simm.s32 @!p1 $0x1082;
	[sflag:s4] =	ssyncset.s32 $0xFFFFF086  }
0x25: {  	[simem:s6], [sflag:s4] =	dma.local [hbm:s3], $0xF7A  }
0x26: {  	[smem:$0x3F9D] =	sst s1;
	(tag) =	ssettag s2;
	_ =	strace s9  }
0x27: {  	s1 =	sld [smem:$0x3FAD]  }
0x28: {  	s2 =	sld [smem:$0x3FAE]  }
0x29: {  	s4 =	sld [smem:$0x3FB0]  }
0x2a: {  	p0 =	seq.s32 s5, $0x0;
	s5 =	sld [smem:$0x3FB1]  }
0x2b: {  	s6 =	sld [smem:$0x3FB2]  }
0x2c: {  	s7 =	sld [smem:$0x3FB3]  }
0x2d: {  	s3 =	simm.s32 $0x108;
	s8 =	sld [smem:$0x3FB4]  }
0x2e: {  	s3 =	simm.s32 @!p0 $0x1082;
	s9 =	sld [smem:$0x3FB5]  }
0x2f: {  	lr =	sadd.s32 s0, s3;
	s0 =	sld [smem:$0x3FAC]  }
0x30: {  	s3 =	sld [smem:$0x3FAF]  }
0x31: {  	[smem:$0x3FB8] =	sst s10  }
0x32: {  	s10 =	sld [smem:$0x3FB6];
	_ =	sdelay $0x3  }
0x33: {  	p0 =	seq.s32 s10, $0x1;
	s10 =	sld [smem:$0x3FB8];
	_ =	sdelay $0x3  }
0x34: {  	[smem:$0x3FB8] =	sst s10  }
0x35: {  	s10 =	sld [smem:$0x3FB7];
	_ =	sdelay $0x3  }
0x36: {  	p1 =	seq.s32 s10, $0x1;
	s10 =	sld [smem:$0x3FB8];
	_ =	sdelay $0x3  }
0x37: {  	[smem:$0x3FB8] =	sst s10  }
0x38: {  	s10 =	sld [smem:$0x3FB9]  }
0x39: {  	_ = 	snop;
	(pc) =	sbr.ind lr, $3  }
0x3a: {  	_ = 	snop  }
0x3b: {  	_ = 	snop  }
0x3c: {  	p2 =	seq.s32 s10, $0x1;
	s10 =	sld [smem:$0x3FB8]  }
0x3d: {  	_ =	shalt  }
0x3e: {  	_ =	shalt  }
0x3f: {  	_ =	shalt  }
0x40: {  	_ =	shalt  }
0x41: {  	_ =	shalt  }
0x42: {  	_ =	shalt  }
0x43: {  	_ =	shalt  }
0x44: {  	_ =	shalt  }
0x45: {  	_ =	shalt  }
0x46: {  	_ =	shalt  }
0x47: {  	_ =	shalt  }
0x48: {  	_ =	shalt  }
0x49: {  	_ =	shalt  }
0x4a: {  	_ =	shalt  }
0x4b: {  	_ =	shalt  }
0x4c: {  	_ =	shalt  }
0x4d: {  	_ =	shalt  }
0x4e: {  	_ =	shalt  }
0x4f: {  	_ =	shalt  }
0x50: {  	_ =	shalt  }
0x51: {  	_ =	shalt  }
0x52: {  	_ =	shalt  }
0x53: {  	_ =	shalt  }
0x54: {  	_ =	shalt  }
0x55: {  	_ =	shalt  }
0x56: {  	_ =	shalt  }
0x57: {  	_ =	shalt  }
0x58: {  	_ =	shalt  }
0x59: {  	_ =	shalt  }
0x5a: {  	_ =	shalt  }
0x5b: {  	_ =	shalt  }
0x5c: {  	_ =	shalt  }
0x5d: {  	_ =	shalt  }
0x5e: {  	_ =	shalt  }
0x5f: {  	_ =	shalt  }
0x60: {  	_ =	shalt  }
0x61: {  	_ =	shalt  }
0x62: {  	_ =	shalt  }
0x63: {  	_ =	shalt  }
0x64: {  	_ =	shalt  }
0x65: {  	_ =	shalt  }
0x66: {  	_ =	shalt  }
0x67: {  	_ =	shalt  }
0x68: {  	_ =	shalt  }
0x69: {  	_ =	shalt  }
0x6a: {  	_ =	shalt  }
0x6b: {  	_ =	shalt  }
0x6c: {  	_ =	shalt  }
0x6d: {  	_ =	shalt  }
0x6e: {  	_ =	shalt  }
0x6f: {  	_ =	shalt  }
0x70: {  	_ =	shalt  }
0x71: {  	_ =	shalt  }
0x72: {  	_ =	shalt  }
0x73: {  	_ =	shalt  }
0x74: {  	_ =	shalt  }
0x75: {  	_ =	shalt  }
0x76: {  	_ =	shalt  }
0x77: {  	_ =	shalt  }
0x78: {  	_ =	shalt  }
0x79: {  	_ =	shalt  }
0x7a: {  	_ =	shalt  }
0x7b: {  	_ =	shalt  }
0x7c: {  	_ =	shalt  }
0x7d: {  	_ =	shalt  }
0x7e: {  	_ =	shalt  }
0x7f: {  	_ =	shalt  }
0x80: {  	_ =	shalt  }
0x81: {  	_ =	shalt  }
0x82: {  	_ =	shalt  }
0x83: {  	_ =	shalt  }
0x84: {  	_ =	shalt  }
0x85: {  	_ =	shalt  }
0x86: {  	_ =	shalt  }
0x87: {  	_ =	shalt  }
.Lfunc_end0:
.L_simem_size_0:
called_computation_lowered:
.L_overlay_start_0:
0x88: {  	s2 =	sld [smem:$0x3FD9]  }
0x89: {  	s3 =	sld [smem:$0x3FFE];
	_ =	sdelay $0x1  }
0x8a: {  	s1 =	srdreg.scid  }
0x8b: {  	s0 =	sand.u32 $0x1, s1  }
0x8c: {  	s17 =	sshll.u32 s0, $0xA;
	s2 =	sadd.s32 s3, s2  }
0x8d: {  	s2 =	sadd.s32 s2, s17  }
0x8e: {  	[smem:$0x3FC4] =	sst s2  }
0x8f: {  	_ = 	snop  }
0x90: {  	s2 =	sld [smem:$0x3FC6]  }
0x91: {  	s18 =	sld [smem:$0x3FD0];
	(tm) =	ssettm $0x1  }
0x92: {  	s4 =	sld [smem:$0x3FFB];
	_ =	sdelay $0x3  }
0x93: {  	_ =	strace s4  }
0x94: {  	s4 =	sld [smem:$0x3FFC];
	_ =	sdelay $0x3  }
0x95: {  	_ =	strace s4  }
0x96: {  	s4 =	sld [smem:$0x3FFD];
	_ =	sdelay $0x3  }
0x97: {  	_ =	strace s4  }
0x98: {  	_ =	strace $0x8FFFFFFF  }
0x99: {  	s19 =	sld [smem:$0x3FDB];
	_ =	sdelay $0x1  }
0x9a: {  	s5 =	simm.s32 $_scs_section_size  }
0x9b: {  	s6 =	simm.s32 $_size__tile_overlayer_lowered;
	s7 =	simm.s32 $_tile_overlayer_lowered  }
0x9c: {  	s22 =	simm.s32 $0x1BFF;
	s21 =	sshll.u32 s7, $0x1;
	s4 =	sadd.s32 s5, s19  }
0x9d: {  	s8 =	simm.s32 $0x0;
	s20 =	sshll.u32 s6, $0x1;
	s6 =	sadd.s32 s21, s4  }
0x9e: {  	[timem:s8], [sflag:s22] =	dma.local [hbm:s6], s20  }
0x9f: {  	_ =	swait.ge [sflag:s22], s20  }
0xa0: {  	s5 =	ssub.s32 $0x0, s20;
	[sflag:s22] =	ssyncset.done $0x0  }
0xa1: {  	[sflag:s22] =	ssyncadd.s32 s5;
	_ =	sdelay $0x1  }
0xa2: {  	s23 =	simm.s32 $0x1B8B  }
0xa3: {  	_ =	swait.ge [sflag:s23], $0x1  }
0xa4: {  	[sflag:s23] =	ssyncset.done $0x0  }
0xa5: {  	s25 =	simm.s32 $0x1B8E;
	s24 =	sld [smem:$0x3FFE];
	[sflag:s23] =	ssyncadd.s32 $0xFFFFFFFF  }
0xa6: {  	s26 =	simm.s32 $execute0_lowered;
	[smem:$0x3FD2] =	sst s25  }
0xa7: {  	s6 =	sshll.u32 s26, $0x1;
	_ =	strace $0x80000046;
	[dreg:$0x1] =	wrdreg $0xFFFFFFFF  }
0xa8: {  	s28 =	simm.s32 $_size_execute0_lowered;
	s4 =	sadd.s32 s4, s6;
	[dreg:$0x0] =	wrdreg $0x0  }
0xa9: {  	s6 =	sshll.u32 s28, $0x1;
	[dreg:$0x2] =	wrdreg s4  }
0xaa: {  	[dreg:$0x3] =	wrdreg s6  }
0xab: {  	[dreg:$0x4] =	wrdreg $0xC0  }
0xac: {  	_ =	task [dreg:s8], $0x5FFFF  }
0xad: {  	[dreg:$0x1] =	wrdreg $0xFFFFFFFF  }
0xae: {  	[dreg:$0x0] =	wrdreg $0x60  }
0xaf: {  	[dreg:$0x2] =	wrdreg s24  }
0xb0: {  	[dreg:$0x3] =	wrdreg s2  }
0xb1: {  	[dreg:$0x4] =	wrdreg s18  }
0xb2: {  	[dreg:$0x5] =	wrdreg $0x9  }
0xb3: {  	_ =	task.clear_ibuf [dreg:s8], $0x6FFFF;
	_ =	strace $0x90000046  }
0xb4: {  	s29 =	simm.s32 $0x9;
	_ =	strace $0x80000048  }
0xb5: {  	_ =	swait.ge [sflag:s29], $0x1  }
0xb6: {  	[sflag:s29] =	ssyncadd.s32 $0xFFFFFFFF  }
0xb7: {  	_ =	strace $0x90000048  }
0xb8: {  	_ =	sfence  }
0xb9: {  	s30 =	sld [smem:$0x0];
	_ =	sdelay $0x2  }
0xba: {  	s31 =	sshll.u32 s1, $0xD;
	s1 =	sshrl.u32 s1, $0x2  }
0xbb: {  	s3 =	sand.u32 $0x4000, s31;
	s1 =	sadd.s32 s1, s30  }
0xbc: {  	s0 =	sor.u32 s3, s0;
	s1 =	sshll.u32 s1, $0x11  }
0xbd: {  	s0 =	sor.u32 s1, s0  }
0xbe: {  	s0 =	sadd.s32 $0x8F2B, s0  }
0xbf: {  	[sflag:s0] =	ssyncadd.remote.s32 $0x1  }
0xc0: {  	_ =	sfence.sel $0xFFFF  }
0xc1: {  	[dreg:$0x0] =	wrdreg $0xFFFFFFFF;
	(pc) =	sbr.abs _section_cstart, $3  }
0xc2: {  	[dreg:$0x1] =	wrdreg $0xFFFFFFFF  }
0xc3: {  	_ =	task.clear_ibuf [dreg:s8], $0x2FFFF;
	_ =	strace $0x9FFFFFFF  }
0xc4: {  	(tm) =	ssettm $0x7FFFFFFF  }
0xc5: {  	_ =	shalt  }
tec
execute0_lowered:
.L_overlay_start_1:
0x0: {  	(tag) =	ssettag $0x1  }
0x1: {  	s6 =	rddreg [dreg:$0x0]  }
0x2: {  	s1 =	rddreg [dreg:$0x1]  }
0x3: {  	s9 =	rddreg [dreg:$0x2]  }
0x4: {  	s0 =	rddreg [dreg:$0x3];
	s3 =	simm.s32 $0x0;
	s4 =	srdreg.scid  }
0x5: {  	s2 =	stileid.u32;
	s14 =	simm.s32 $0xB550;
	s16 =	simm.s32 $0x1  }
0x6: {  	s17 =	simm.s32 $0x2710;
	s18 =	simm.s32 $0x4E30;
	s19 =	simm.s32 $0x2  }
0x7: {  	s20 =	simm.s32 $0x0;
	s5 =	sand.u32 $0x1, s4;
	s29 =	sshll.u32 s2, $0x1  }
0x8: {  	[smem:$0x7FF] =	sst s3;
	s4 =	sadd.s32 $0x9E00, s6;
	s8 =	sor.u32 s5, s29  }
0x9: {  	_ =	strace $0x80000047;
	s5 =	ssub.s32 $0x2, s5;
	s7 =	smul.u32 $0x4E2, s8  }
0xa: {  	s10 =	sshrl.u32 s5, $0x1;
	s11 =	sshll.u32 s8, $0xA;
	s12 =	smul.u32 $0x4E20, s8  }
0xb: {  	s15 =	sshll.u32 s8, $0x1;
	s30 =	smul.u32 $0x9C4, s8;
	s13 =	ssub.s32 s5, s10  }
0xc: {  	s5 =	sadd.s32 s4, s11;
	v0 =	vmov s15;
	s15 =	simm.s32 $0x9550;
	s6 =	sadd.s32 s6, s7  }
0xd: {  	s31 =	sshrl.u32 s12, $0x3;
	s7 =	sadd.s32 $0x1, s8;
	s8 =	sadd.s32 $0x2, s8  }
0xe: {  	s12 =	simm.s32 $0x7550;
	s11 =	sadd.s32 s9, s31;
	s9 =	sadd.s32 s9, s30  }
0xf: {  	v2 =	vimm.f32 $0.0e+00;
	v1 =	vor.u32 $0x1, v0;
	s10 =	sadd.s32 $0x4E2, s11;
	s11 =	smax.u32 s13, $0x1;
	s13 =	simm.s32 $0x3  }
.LBB2_1:
0x10: {  	[tilespmem:s12], [sflag:$0x1] =	stream.linear.gather [hbm4b:s5+s3], $0x2000, $0x38;
	[tilespmem:$0xB590] =	vst v63  }
0x11: {  	_ = 	snop  }
0x12: {  	[tilespmem:s3], [sflag:$0x3] =	stream.linear.gather [hbm4b:s6+s3], $0x2710, $0x38;
	[tilespmem:$0xB590] =	vst v63  }
0x13: {  	_ =	swait.ge [sflag:s13], $0x2710  }
0x14: {  	[sflag:s13] =	ssyncset.done $0x0  }
0x15: {  	[sflag:s13] =	ssyncadd.s32 $0xFFFFD8F0  }
0x16: {  	[tilespmem:s14], [sflag:$0x3] =	stream.linear.gather [hbm4b:s1+s3], $0x40, $0x38;
	[tilespmem:$0xB590] =	vst v63  }
0x17: {  	_ =	swait.ge [sflag:s13], $0x40  }
0x18: {  	[sflag:s13] =	ssyncset.done $0x0  }
0x19: {  	s21 =	simm.s32 $0x40;
	s22 =	simm.s32 $0x0;
	[sflag:s13] =	ssyncadd.s32 $0xFFFFFFC0  }
.LBB2_2:
0x1a: {  	p0 =	sne.s32 s21, $0x9C40;
	[tilespmem:s22+$0x2710] =	vst v2;
	s23 =	smov.u32 s21;
	s21 =	sadd.s32 $0x40, s21  }
.Ltmp0:
0x1b: {  	[tilespmem:s22+$0x4E30] =	vst v2;
	(pc) =	sbr.rel @p0 .LBB2_2-.Ltmp0, $2  }
0x1c: {  	_ =	sdelay $0x2  }
0x1d: {  	s22 =	sshra.s32 s23, $0x2  }
0x1e: {  	[tilespmem:s22+$0x2710] =	vst v2  }
0x1f: {  	s21 =	simm.s32 $0x0;
	[tilespmem:s22+$0x4E30] =	vst v2;
	s22 =	simm.s32 $0x0  }
.LBB2_4:
0x20: {  	s23 =	sshll.u32 s22, $0x1  }
0x21: {  	s24 =	sadd.s32 s23, s7  }
0x22: {  	s25 =	smulhi.u32 $0x66666667, s24;
	_ =	sdelay $0x1  }
0x23: {  	s25 =	sshrl.u32 s25, $0x4  }
0x24: {  	s25 =	smul.u32 $0x28, s25;
	_ =	sdelay $0x1  }
0x25: {  	s24 =	ssub.s32 s24, s25  }
0x26: {  	s24 =	sshll.u32 s24, $0xA  }
0x27: {  	s24 =	sadd.s32 s4, s24  }
0x28: {  	[tilespmem:s15], [sflag:$0x2] =	stream.linear.gather [hbm4b:s24+s21], $0x2000, $0x38;
	[tilespmem:$0xB590] =	vst v63  }
0x29: {  	_ =	swait.ge [sflag:s16], $0x2000  }
0x2a: {  	[sflag:s16] =	ssyncset.done $0x0  }
0x2b: {  	s31 =	simm.s32 $0x0;
	[sflag:s16] =	ssyncadd.s32 $0xFFFFE000  }
0x2c: {  	v3 =	vld [tilespmem:s31+$0x7560]  }
0x2d: {  	v4 =	vld [tilespmem:s31+$0x7550]  }
0x2e: {  	v5 =	vld [tilespmem:s31+$0x7570]  }
0x2f: {  	v6 =	vld [tilespmem:s31+$0x7580]  }
0x30: {  	v7 =	vld [tilespmem:s31+$0x7590]  }
0x31: {  	v8 =	vld [tilespmem:s31+$0x75A0];
	v9 =	vshra.s32 v3, $0xE  }
0x32: {  	v10 =	vld [tilespmem:s31+$0x75B0];
	v11 =	vshra.s32 v4, $0xE  }
0x33: {  	v12 =	vld [tilespmem:s31+$0x75C0];
	v13 =	vshra.s32 v5, $0xE  }
0x34: {  	v14 =	vshra.s32 v6, $0xE  }
0x35: {  	v15 =	vshra.s32 v7, $0xE  }
0x36: {  	v16 =	vshra.s32 v8, $0xE;
	v9 =	vld.idx.msk [tilespmem:v9+s3+$0x0], $0xffff  }
0x37: {  	v17 =	vshra.s32 v10, $0xE;
	v11 =	vld.idx.msk [tilespmem:v11+s3+$0x0], $0xffff  }
0x38: {  	v18 =	vshra.s32 v12, $0xE;
	v13 =	vld.idx.msk [tilespmem:v13+s3+$0x0], $0xffff  }
0x39: {  	v4 =	vand.u32 $0x3FFF, v4;
	v14 =	vld.idx.msk [tilespmem:v14+s3+$0x0], $0xffff  }
0x3a: {  	v19 =	vand.u32 $0x3FFF, v3;
	v15 =	vld.idx.msk [tilespmem:v15+s3+$0x0], $0xffff  }
0x3b: {  	v5 =	vand.u32 $0x3FFF, v5;
	v16 =	vld.idx.msk [tilespmem:v16+s3+$0x0], $0xffff  }
0x3c: {  	v6 =	vand.u32 $0x3FFF, v6;
	v17 =	vld.idx.msk [tilespmem:v17+s3+$0x0], $0xffff  }
0x3d: {  	v7 =	vand.u32 $0x3FFF, v7;
	v18 =	vld.idx.msk [tilespmem:v18+s3+$0x0], $0xffff;
	v3 =	vshll.u32 v11, $0x10  }
0x3e: {  	v8 =	vand.u32 $0x3FFF, v8;
	v20 =	vshll.u32 v9, $0x10;
	[tilespmem:v4+s17+$0x0] =	vst.idx.add.f32.msk $0xffff, v3  }
0x3f: {  	v10 =	vand.u32 $0x3FFF, v10;
	v3 =	vshll.u32 v13, $0x10;
	[tilespmem:v19+s17+$0x0] =	vst.idx.add.f32.msk $0xffff, v20  }
0x40: {  	v58 =	vshll.u32 v14, $0x10;
	[tilespmem:v5+s17+$0x0] =	vst.idx.add.f32.msk $0xffff, v3;
	v3 =	vand.u32 $0x3FFF, v12  }
0x41: {  	v59 =	vshll.u32 v15, $0x10;
	[tilespmem:v6+s17+$0x0] =	vst.idx.add.f32.msk $0xffff, v58  }
0x42: {  	v60 =	vshll.u32 v16, $0x10;
	[tilespmem:v7+s17+$0x0] =	vst.idx.add.f32.msk $0xffff, v59  }
0x43: {  	v61 =	vshll.u32 v17, $0x10;
	[tilespmem:v8+s17+$0x0] =	vst.idx.add.f32.msk $0xffff, v60  }
0x44: {  	v62 =	vshll.u32 v18, $0x10;
	[tilespmem:v10+s17+$0x0] =	vst.idx.add.f32.msk $0xffff, v61  }
0x45: {  	v11 =	vand.u32 $0xFFFF0000, v11;
	[tilespmem:v3+s17+$0x0] =	vst.idx.add.f32.msk $0xffff, v62  }
0x46: {  	v9 =	vand.u32 $0xFFFF0000, v9;
	[tilespmem:v4+s18+$0x0] =	vst.idx.add.f32.msk $0xffff, v11  }
0x47: {  	v4 =	vand.u32 $0xFFFF0000, v13;
	[tilespmem:v19+s18+$0x0] =	vst.idx.add.f32.msk $0xffff, v9  }
0x48: {  	v63 =	vand.u32 $0xFFFF0000, v14;
	[tilespmem:v5+s18+$0x0] =	vst.idx.add.f32.msk $0xffff, v4  }
0x49: {  	v4 =	vand.u32 $0xFFFF0000, v15;
	[tilespmem:v6+s18+$0x0] =	vst.idx.add.f32.msk $0xffff, v63  }
0x4a: {  	v5 =	vand.u32 $0xFFFF0000, v16;
	[tilespmem:v7+s18+$0x0] =	vst.idx.add.f32.msk $0xffff, v4  }
0x4b: {  	v6 =	vand.u32 $0xFFFF0000, v17;
	[tilespmem:v8+s18+$0x0] =	vst.idx.add.f32.msk $0xffff, v5  }
0x4c: {  	s24 =	simm.s32 $0x200;
	v4 =	vand.u32 $0xFFFF0000, v18;
	[tilespmem:v10+s18+$0x0] =	vst.idx.add.f32.msk $0xffff, v6  }
.LBB2_5:
0x4d: {  	s25 =	sshra.s32 s24, $0x2;
	p0 =	sne.s32 s24, $0x7E00;
	s24 =	sadd.s32 $0x200, s24;
	[tilespmem:v3+s18+$0x0] =	vst.idx.add.f32.msk $0xffff, v4  }
0x4e: {  	v3 =	vld [tilespmem:s25+$0x7560]  }
0x4f: {  	v4 =	vld [tilespmem:s25+$0x7550]  }
0x50: {  	v5 =	vld [tilespmem:s25+$0x7570]  }
0x51: {  	v6 =	vld [tilespmem:s25+$0x7580]  }
0x52: {  	v7 =	vld [tilespmem:s25+$0x7590]  }
0x53: {  	v8 =	vld [tilespmem:s25+$0x75A0];
	v9 =	vshra.s32 v3, $0xE  }
0x54: {  	v10 =	vld [tilespmem:s25+$0x75B0];
	v11 =	vshra.s32 v4, $0xE  }
0x55: {  	v12 =	vld [tilespmem:s25+$0x75C0];
	v13 =	vshra.s32 v5, $0xE  }
0x56: {  	v14 =	vshra.s32 v6, $0xE  }
0x57: {  	v15 =	vshra.s32 v7, $0xE  }
0x58: {  	v16 =	vshra.s32 v8, $0xE;
	v9 =	vld.idx.msk [tilespmem:v9+s3+$0x0], $0xffff  }
0x59: {  	v17 =	vshra.s32 v10, $0xE;
	v11 =	vld.idx.msk [tilespmem:v11+s3+$0x0], $0xffff  }
0x5a: {  	v18 =	vshra.s32 v12, $0xE;
	v13 =	vld.idx.msk [tilespmem:v13+s3+$0x0], $0xffff  }
0x5b: {  	v4 =	vand.u32 $0x3FFF, v4;
	v14 =	vld.idx.msk [tilespmem:v14+s3+$0x0], $0xffff  }
0x5c: {  	v19 =	vand.u32 $0x3FFF, v3;
	v15 =	vld.idx.msk [tilespmem:v15+s3+$0x0], $0xffff  }
0x5d: {  	v5 =	vand.u32 $0x3FFF, v5;
	v16 =	vld.idx.msk [tilespmem:v16+s3+$0x0], $0xffff  }
0x5e: {  	v6 =	vand.u32 $0x3FFF, v6;
	v17 =	vld.idx.msk [tilespmem:v17+s3+$0x0], $0xffff  }
0x5f: {  	v7 =	vand.u32 $0x3FFF, v7;
	v3 =	vshll.u32 v11, $0x10;
	v18 =	vld.idx.msk [tilespmem:v18+s3+$0x0], $0xffff  }
0x60: {  	v8 =	vand.u32 $0x3FFF, v8;
	v20 =	vshll.u32 v9, $0x10;
	[tilespmem:v4+s17+$0x0] =	vst.idx.add.f32.msk $0xffff, v3  }
0x61: {  	v10 =	vand.u32 $0x3FFF, v10;
	v3 =	vshll.u32 v13, $0x10;
	[tilespmem:v19+s17+$0x0] =	vst.idx.add.f32.msk $0xffff, v20  }
0x62: {  	v20 =	vshll.u32 v14, $0x10;
	[tilespmem:v5+s17+$0x0] =	vst.idx.add.f32.msk $0xffff, v3;
	v3 =	vand.u32 $0x3FFF, v12  }
0x63: {  	v12 =	vshll.u32 v15, $0x10;
	[tilespmem:v6+s17+$0x0] =	vst.idx.add.f32.msk $0xffff, v20  }
0x64: {  	v20 =	vshll.u32 v16, $0x10;
	[tilespmem:v7+s17+$0x0] =	vst.idx.add.f32.msk $0xffff, v12  }
0x65: {  	v12 =	vshll.u32 v17, $0x10;
	[tilespmem:v8+s17+$0x0] =	vst.idx.add.f32.msk $0xffff, v20  }
0x66: {  	v20 =	vshll.u32 v18, $0x10;
	[tilespmem:v10+s17+$0x0] =	vst.idx.add.f32.msk $0xffff, v12  }
0x67: {  	v11 =	vand.u32 $0xFFFF0000, v11;
	[tilespmem:v3+s17+$0x0] =	vst.idx.add.f32.msk $0xffff, v20  }
0x68: {  	v9 =	vand.u32 $0xFFFF0000, v9;
	[tilespmem:v4+s18+$0x0] =	vst.idx.add.f32.msk $0xffff, v11  }
0x69: {  	v4 =	vand.u32 $0xFFFF0000, v13;
	[tilespmem:v19+s18+$0x0] =	vst.idx.add.f32.msk $0xffff, v9  }
.Ltmp1:
0x6a: {  	v9 =	vand.u32 $0xFFFF0000, v14;
	[tilespmem:v5+s18+$0x0] =	vst.idx.add.f32.msk $0xffff, v4;
	(pc) =	sbr.rel @p0 .LBB2_5-.Ltmp1, $4  }
0x6b: {  	v4 =	vand.u32 $0xFFFF0000, v15;
	[tilespmem:v6+s18+$0x0] =	vst.idx.add.f32.msk $0xffff, v9  }
0x6c: {  	v5 =	vand.u32 $0xFFFF0000, v16;
	[tilespmem:v7+s18+$0x0] =	vst.idx.add.f32.msk $0xffff, v4  }
0x6d: {  	v6 =	vand.u32 $0xFFFF0000, v17;
	[tilespmem:v8+s18+$0x0] =	vst.idx.add.f32.msk $0xffff, v5  }
0x6e: {  	v4 =	vand.u32 $0xFFFF0000, v18;
	[tilespmem:v10+s18+$0x0] =	vst.idx.add.f32.msk $0xffff, v6  }
0x6f: {  	s23 =	sadd.s32 s23, s8  }
0x70: {  	s24 =	smulhi.u32 $0x66666667, s23;
	_ =	sdelay $0x1  }
0x71: {  	s24 =	sshrl.u32 s24, $0x4  }
0x72: {  	s24 =	smul.u32 $0x28, s24;
	_ =	sdelay $0x1  }
0x73: {  	s23 =	ssub.s32 s23, s24  }
0x74: {  	s23 =	sshll.u32 s23, $0xA  }
0x75: {  	[tilespmem:v3+s18+$0x0] =	vst.idx.add.f32.msk $0xffff, v4;
	s30 =	simm.s32 $0x0;
	s23 =	sadd.s32 s4, s23  }
0x76: {  	[tilespmem:s12], [sflag:$0x1] =	stream.linear.gather [hbm4b:s23+s30], $0x2000, $0x38;
	[tilespmem:$0xB590] =	vst v63  }
0x77: {  	_ =	swait.ge [sflag:s19], $0x2000  }
0x78: {  	[sflag:s19] =	ssyncset.done $0x0  }
0x79: {  	s31 =	simm.s32 $0x0;
	[sflag:s19] =	ssyncadd.s32 $0xFFFFE000  }
0x7a: {  	v3 =	vld [tilespmem:s31+$0x9560]  }
0x7b: {  	v4 =	vld [tilespmem:s31+$0x9550]  }
0x7c: {  	v5 =	vld [tilespmem:s31+$0x9570]  }
0x7d: {  	v6 =	vld [tilespmem:s31+$0x9580]  }
0x7e: {  	v7 =	vld [tilespmem:s31+$0x9590]  }
0x7f: {  	v8 =	vld [tilespmem:s31+$0x95A0];
	v9 =	vshra.s32 v3, $0xE  }
0x80: {  	v10 =	vld [tilespmem:s31+$0x95B0];
	v11 =	vshra.s32 v4, $0xE  }
0x81: {  	v12 =	vld [tilespmem:s31+$0x95C0];
	v13 =	vshra.s32 v5, $0xE  }
0x82: {  	v14 =	vshra.s32 v6, $0xE  }
0x83: {  	v15 =	vshra.s32 v7, $0xE  }
0x84: {  	v16 =	vshra.s32 v8, $0xE;
	v9 =	vld.idx.msk [tilespmem:v9+s3+$0x0], $0xffff  }
0x85: {  	v17 =	vshra.s32 v10, $0xE;
	v11 =	vld.idx.msk [tilespmem:v11+s3+$0x0], $0xffff  }
0x86: {  	v18 =	vshra.s32 v12, $0xE;
	v13 =	vld.idx.msk [tilespmem:v13+s3+$0x0], $0xffff  }
0x87: {  	v4 =	vand.u32 $0x3FFF, v4;
	v14 =	vld.idx.msk [tilespmem:v14+s3+$0x0], $0xffff  }
0x88: {  	v19 =	vand.u32 $0x3FFF, v3;
	v15 =	vld.idx.msk [tilespmem:v15+s3+$0x0], $0xffff  }
0x89: {  	v5 =	vand.u32 $0x3FFF, v5;
	v16 =	vld.idx.msk [tilespmem:v16+s3+$0x0], $0xffff  }
0x8a: {  	v6 =	vand.u32 $0x3FFF, v6;
	v17 =	vld.idx.msk [tilespmem:v17+s3+$0x0], $0xffff  }
0x8b: {  	v7 =	vand.u32 $0x3FFF, v7;
	v18 =	vld.idx.msk [tilespmem:v18+s3+$0x0], $0xffff;
	v3 =	vshll.u32 v11, $0x10  }
0x8c: {  	v8 =	vand.u32 $0x3FFF, v8;
	v20 =	vshll.u32 v9, $0x10;
	[tilespmem:v4+s17+$0x0] =	vst.idx.add.f32.msk $0xffff, v3  }
0x8d: {  	v10 =	vand.u32 $0x3FFF, v10;
	v3 =	vshll.u32 v13, $0x10;
	[tilespmem:v19+s17+$0x0] =	vst.idx.add.f32.msk $0xffff, v20  }
0x8e: {  	v58 =	vshll.u32 v14, $0x10;
	[tilespmem:v5+s17+$0x0] =	vst.idx.add.f32.msk $0xffff, v3;
	v3 =	vand.u32 $0x3FFF, v12  }
0x8f: {  	v59 =	vshll.u32 v15, $0x10;
	[tilespmem:v6+s17+$0x0] =	vst.idx.add.f32.msk $0xffff, v58  }
0x90: {  	v60 =	vshll.u32 v16, $0x10;
	[tilespmem:v7+s17+$0x0] =	vst.idx.add.f32.msk $0xffff, v59  }
0x91: {  	v61 =	vshll.u32 v17, $0x10;
	[tilespmem:v8+s17+$0x0] =	vst.idx.add.f32.msk $0xffff, v60  }
0x92: {  	v62 =	vshll.u32 v18, $0x10;
	[tilespmem:v10+s17+$0x0] =	vst.idx.add.f32.msk $0xffff, v61  }
0x93: {  	v11 =	vand.u32 $0xFFFF0000, v11;
	[tilespmem:v3+s17+$0x0] =	vst.idx.add.f32.msk $0xffff, v62  }
0x94: {  	v9 =	vand.u32 $0xFFFF0000, v9;
	[tilespmem:v4+s18+$0x0] =	vst.idx.add.f32.msk $0xffff, v11  }
0x95: {  	v4 =	vand.u32 $0xFFFF0000, v13;
	[tilespmem:v19+s18+$0x0] =	vst.idx.add.f32.msk $0xffff, v9  }
0x96: {  	v63 =	vand.u32 $0xFFFF0000, v14;
	[tilespmem:v5+s18+$0x0] =	vst.idx.add.f32.msk $0xffff, v4  }
0x97: {  	v4 =	vand.u32 $0xFFFF0000, v15;
	[tilespmem:v6+s18+$0x0] =	vst.idx.add.f32.msk $0xffff, v63  }
0x98: {  	v5 =	vand.u32 $0xFFFF0000, v16;
	[tilespmem:v7+s18+$0x0] =	vst.idx.add.f32.msk $0xffff, v4  }
0x99: {  	v6 =	vand.u32 $0xFFFF0000, v17;
	[tilespmem:v8+s18+$0x0] =	vst.idx.add.f32.msk $0xffff, v5  }
0x9a: {  	s23 =	simm.s32 $0x200;
	v4 =	vand.u32 $0xFFFF0000, v18;
	[tilespmem:v10+s18+$0x0] =	vst.idx.add.f32.msk $0xffff, v6  }
.LBB2_7:
0x9b: {  	s24 =	sshra.s32 s23, $0x2;
	p0 =	sne.s32 s23, $0x7E00;
	s23 =	sadd.s32 $0x200, s23;
	[tilespmem:v3+s18+$0x0] =	vst.idx.add.f32.msk $0xffff, v4  }
0x9c: {  	v3 =	vld [tilespmem:s24+$0x9560]  }
0x9d: {  	v4 =	vld [tilespmem:s24+$0x9550]  }
0x9e: {  	v5 =	vld [tilespmem:s24+$0x9570]  }
0x9f: {  	v6 =	vld [tilespmem:s24+$0x9580]  }
0xa0: {  	v7 =	vld [tilespmem:s24+$0x9590]  }
0xa1: {  	v8 =	vld [tilespmem:s24+$0x95A0];
	v9 =	vshra.s32 v3, $0xE  }
0xa2: {  	v10 =	vld [tilespmem:s24+$0x95B0];
	v11 =	vshra.s32 v4, $0xE  }
0xa3: {  	v12 =	vld [tilespmem:s24+$0x95C0];
	v13 =	vshra.s32 v5, $0xE  }
0xa4: {  	v14 =	vshra.s32 v6, $0xE  }
0xa5: {  	v15 =	vshra.s32 v7, $0xE  }
0xa6: {  	v16 =	vshra.s32 v8, $0xE;
	v9 =	vld.idx.msk [tilespmem:v9+s3+$0x0], $0xffff  }
0xa7: {  	v17 =	vshra.s32 v10, $0xE;
	v11 =	vld.idx.msk [tilespmem:v11+s3+$0x0], $0xffff  }
0xa8: {  	v18 =	vshra.s32 v12, $0xE;
	v13 =	vld.idx.msk [tilespmem:v13+s3+$0x0], $0xffff  }
0xa9: {  	v4 =	vand.u32 $0x3FFF, v4;
	v14 =	vld.idx.msk [tilespmem:v14+s3+$0x0], $0xffff  }
0xaa: {  	v19 =	vand.u32 $0x3FFF, v3;
	v15 =	vld.idx.msk [tilespmem:v15+s3+$0x0], $0xffff  }
0xab: {  	v5 =	vand.u32 $0x3FFF, v5;
	v16 =	vld.idx.msk [tilespmem:v16+s3+$0x0], $0xffff  }
0xac: {  	v6 =	vand.u32 $0x3FFF, v6;
	v17 =	vld.idx.msk [tilespmem:v17+s3+$0x0], $0xffff  }
0xad: {  	v7 =	vand.u32 $0x3FFF, v7;
	v3 =	vshll.u32 v11, $0x10;
	v18 =	vld.idx.msk [tilespmem:v18+s3+$0x0], $0xffff  }
0xae: {  	v8 =	vand.u32 $0x3FFF, v8;
	v20 =	vshll.u32 v9, $0x10;
	[tilespmem:v4+s17+$0x0] =	vst.idx.add.f32.msk $0xffff, v3  }
0xaf: {  	v10 =	vand.u32 $0x3FFF, v10;
	v3 =	vshll.u32 v13, $0x10;
	[tilespmem:v19+s17+$0x0] =	vst.idx.add.f32.msk $0xffff, v20  }
0xb0: {  	v20 =	vshll.u32 v14, $0x10;
	[tilespmem:v5+s17+$0x0] =	vst.idx.add.f32.msk $0xffff, v3;
	v3 =	vand.u32 $0x3FFF, v12  }
0xb1: {  	v12 =	vshll.u32 v15, $0x10;
	[tilespmem:v6+s17+$0x0] =	vst.idx.add.f32.msk $0xffff, v20  }
0xb2: {  	v20 =	vshll.u32 v16, $0x10;
	[tilespmem:v7+s17+$0x0] =	vst.idx.add.f32.msk $0xffff, v12  }
0xb3: {  	v12 =	vshll.u32 v17, $0x10;
	[tilespmem:v8+s17+$0x0] =	vst.idx.add.f32.msk $0xffff, v20  }
0xb4: {  	v20 =	vshll.u32 v18, $0x10;
	[tilespmem:v10+s17+$0x0] =	vst.idx.add.f32.msk $0xffff, v12  }
0xb5: {  	v11 =	vand.u32 $0xFFFF0000, v11;
	[tilespmem:v3+s17+$0x0] =	vst.idx.add.f32.msk $0xffff, v20  }
0xb6: {  	v9 =	vand.u32 $0xFFFF0000, v9;
	[tilespmem:v4+s18+$0x0] =	vst.idx.add.f32.msk $0xffff, v11  }
0xb7: {  	v4 =	vand.u32 $0xFFFF0000, v13;
	[tilespmem:v19+s18+$0x0] =	vst.idx.add.f32.msk $0xffff, v9  }
.Ltmp2:
0xb8: {  	v9 =	vand.u32 $0xFFFF0000, v14;
	[tilespmem:v5+s18+$0x0] =	vst.idx.add.f32.msk $0xffff, v4;
	(pc) =	sbr.rel @p0 .LBB2_7-.Ltmp2, $4  }
0xb9: {  	v4 =	vand.u32 $0xFFFF0000, v15;
	[tilespmem:v6+s18+$0x0] =	vst.idx.add.f32.msk $0xffff, v9  }
0xba: {  	v5 =	vand.u32 $0xFFFF0000, v16;
	[tilespmem:v7+s18+$0x0] =	vst.idx.add.f32.msk $0xffff, v4  }
0xbb: {  	v6 =	vand.u32 $0xFFFF0000, v17;
	[tilespmem:v8+s18+$0x0] =	vst.idx.add.f32.msk $0xffff, v5  }
0xbc: {  	v4 =	vand.u32 $0xFFFF0000, v18;
	[tilespmem:v10+s18+$0x0] =	vst.idx.add.f32.msk $0xffff, v6  }
0xbd: {  	s22 =	sadd.s32 $0x1, s22  }
0xbe: {  	p0 =	sne.s32 s22, $0x14  }
.Ltmp3:
0xbf: {  	_ = 	snop;
	(pc) =	sbr.rel @p0 .LBB2_4-.Ltmp3, $2  }
0xc0: {  	_ =	sdelay $0x2  }
0xc1: {  	[tilespmem:v3+s18+$0x0] =	vst.idx.add.f32.msk $0xffff, v4  }
0xc2: {  	_ =	swait.ge [sflag:s16], $0x2000  }
0xc3: {  	[sflag:s16] =	ssyncset.done $0x0  }
0xc4: {  	s21 =	simm.s32 $0x0;
	[sflag:s16] =	ssyncadd.s32 $0xFFFFE000  }
0xc5: {  	v5 =	vld [tilespmem:s21+$0x0]  }
0xc6: {  	v6 =	vld [tilespmem:s21+$0x2710]  }
0xc7: {  	v7 =	vld [tilespmem:s21+$0x4E30]  }
0xc8: {  	v3 =	vld.idx.msk [tilespmem:v0+s14+$0x0], $0xffff  }
0xc9: {  	v4 =	vld.idx.msk [tilespmem:v1+s14+$0x0], $0xffff  }
0xca: {  	v8 =	vshll.u32 v5, $0x10  }
0xcb: {  	v5 =	vand.u32 $0xFFFF0000, v5;
	v6 =	vadd.f32 v8, v6  }
0xcc: {  	v7 =	vadd.f32 v5, v7  }
0xcd: {  	v8 =	vadd.f32 v6, v3  }
0xce: {  	s23 =	simm.s32 $0x10;
	v6 =	vadd.f32 v7, v4  }
0xcf: {  	s22 =	simm.s32 $0x80;
	v5 =	vld [tilespmem:s23+$0x0];
	[tilespmem:s21+$0x2710] =	vst v8  }
.LBB2_10:
0xd0: {  	p0 =	sne.s32 s22, $0x9C00;
	v7 =	vld [tilespmem:s23+$0x2710];
	[tilespmem:s21+$0x4E30] =	vst v6;
	s21 =	smov.u32 s23  }
0xd1: {  	v6 =	vld [tilespmem:s21+$0x4E30];
	_ =	sdelay $0x2  }
0xd2: {  	v8 =	vshll.u32 v5, $0x10  }
.Ltmp4:
0xd3: {  	v5 =	vand.u32 $0xFFFF0000, v5;
	v7 =	vadd.f32 v8, v7;
	(pc) =	sbr.rel @p0 .LBB2_10-.Ltmp4, $4  }
0xd4: {  	v5 =	vadd.f32 v5, v6  }
0xd5: {  	v7 =	vadd.f32 v7, v3  }
0xd6: {  	s23 =	sshra.s32 s22, $0x2;
	v6 =	vadd.f32 v5, v4  }
0xd7: {  	s22 =	sadd.s32 $0x40, s22;
	v5 =	vld [tilespmem:s23+$0x0];
	[tilespmem:s21+$0x2710] =	vst v7  }
0xd8: {  	v7 =	vld [tilespmem:s23+$0x2710];
	[tilespmem:s21+$0x4E30] =	vst v6  }
0xd9: {  	v6 =	vld [tilespmem:s23+$0x4E30];
	_ =	sdelay $0x2  }
0xda: {  	v8 =	vshll.u32 v5, $0x10  }
0xdb: {  	v63 =	vand.u32 $0xFFFF0000, v5;
	v7 =	vadd.f32 v8, v7  }
0xdc: {  	v5 =	vadd.f32 v63, v6  }
0xdd: {  	v3 =	vadd.f32 v7, v3  }
0xde: {  	v4 =	vadd.f32 v5, v4  }
0xdf: {  	[tilespmem:s23+$0x2710] =	vst v3  }
0xe0: {  	[tilespmem:s23+$0x4E30] =	vst v4  }
0xe1: {  	[hbm4b:s9+s3] =	stream.linear.scatter [tilespmem:s17], [sflag:$0x3], $0x2710, $0x38;
	[tilespmem:$0xB590] =	vst v63  }
0xe2: {  	s20 =	sadd.s32 $0x1, s20;
	_ =	swait.ge [sflag:s13], $0x2710  }
0xe3: {  	p0 =	sne.s32 s20, s11;
	[sflag:s13] =	ssyncset.done $0x0  }
.Ltmp5:
0xe4: {  	[sflag:s13] =	ssyncadd.s32 $0xFFFFD8F0;
	(pc) =	sbr.rel @p0 .LBB2_1-.Ltmp5, $4  }
0xe5: {  	[hbm4b:s10+s3] =	stream.linear.scatter [tilespmem:s18], [sflag:$0x3], $0x2710, $0x38;
	[tilespmem:$0xB590] =	vst v63  }
0xe6: {  	_ =	swait.ge [sflag:s13], $0x2710  }
0xe7: {  	[sflag:s13] =	ssyncset.done $0x0  }
0xe8: {  	[sflag:s13] =	ssyncadd.s32 $0xFFFFD8F0  }
0xe9: {  	_ =	sfence.sel $0x180000  }
0xea: {  	[bflag:$0x0] =	sbarrier.arrive $0xFFFF  }
0xeb: {  	p0 =	sne.s32 s2, $0x0;
	_ =	strace $0x90000047  }
0xec: {  	s0 =	sadd.s32 @!p0 $0x100000, s0;
	[bflag:$0x2] =	sbarrier.arrive $0xFFFF  }
0xed: {  	[sflag:s0] =	ssyncadd.tile.s32 @!p0 $0x1;
	_ =	shalt  }
.Lfunc_end2:
_tile_overlayer_lowered:
.L_overlay_start_2:
0xee: {  	(tag) =	ssettag $0x2  }
0xef: {  	s0 =	rddreg [dreg:$0x0];
	s2 =	stileid.u32  }
0xf0: {  	s1 =	rddreg [dreg:$0x1];
	p0 =	sne.s32 s2, $0x0  }
0xf1: {  	s3 =	rddreg [dreg:$0x2];
	[bflag:$0x3] =	sbarrier.arrive $0xFFFF;
	s2 =	simm.s32 @!p0 $0x1C03  }
0xf2: {  	[timem:s3], [sflag:s2] =	dma.local @!p0 [hbm:s0], s1  }
0xf3: {  	s0 =	simm.s32 @!p0 $0x3  }
0xf4: {  	_ =	swait.ge @!p0 [sflag:s0], s1  }
0xf5: {  	s1 =	ssub.s32 @!p0 $0x0, s1;
	[sflag:s0] =	ssyncset.done @!p0 $0x0  }
0xf6: {  	[sflag:s0] =	ssyncadd.s32 @!p0 s1  }
0xf7: {  	[bflag:$0x3] =	sbarrier.arrive $0xFFFF  }
0xf8: {  	_ =	shalt  }

</sc_bundles>
